<compile_context>
chip_gen: v7x
topology: tpu7x:2x2x1
jax: 0.10.2.dev20260603
libtpu: 0.0.44.dev20260713+nightly
codegen_flags: <defaults>
</compile_context>

<pallas_src>
import functools
import math

import jax
import jax.numpy as jnp
from jax import lax
from jax.experimental import pallas as pl
from jax.experimental.pallas import tpu as pltpu
from jax.experimental.pallas import tpu_sc as plsc

_LANES = 16


def _combo_tc_body(seg_ref, out_ref):
    R, D = out_ref.shape
    r = lax.broadcasted_iota(jnp.int32, (R, D), 0)
    dcol = lax.broadcasted_iota(jnp.int32, (R, D), 1)
    l3 = r // 3
    s = r - 3 * l3
    half = (dcol // 2).astype(jnp.float32)
    div = jnp.exp(half * (-2.0 * math.log(10000.0) / D))
    ang = l3.astype(jnp.float32) * div
    pe = jnp.where(dcol % 2 == 0, jnp.sin(ang), jnp.cos(ang))
    st = seg_ref[...]
    seg0 = jnp.broadcast_to(st[0:1, :], (R, D))
    seg1 = jnp.broadcast_to(st[1:2, :], (R, D))
    seg2 = jnp.broadcast_to(st[2:3, :], (R, D))
    out_ref[...] = pe + jnp.where(s == 0, seg0, jnp.where(s == 1, seg1, seg2))


def _build_combo(segment_table, rows):
    return pl.pallas_call(
        _combo_tc_body,
        out_shape=jax.ShapeDtypeStruct((rows, segment_table.shape[1]), jnp.float32),
    )(segment_table)


def _sc_lookup(seq_flat, lbl_flat, token_table, combo, L):
    N = seq_flat.shape[0]
    D = token_table.shape[1]
    info = plsc.get_sparse_core_info()
    NC, NS = info.num_cores, info.num_subcores
    NW = NC * NS
    C = 128
    assert N % (NW * C) == 0 and D % _LANES == 0
    rows_per_w = N // NW
    chunks = rows_per_w // C
    assert rows_per_w % L == 0 and C <= L
    NBUF = 5
    assert chunks % NBUF == 0
    mesh = plsc.VectorSubcoreMesh(core_axis_name="c", subcore_axis_name="s")

    @functools.partial(
        pl.kernel,
        out_type=jax.ShapeDtypeStruct((N, D), jnp.float32),
        mesh=mesh,
        scratch_types=(
            [pltpu.VMEM((chunks, C), jnp.int32)] * 2
            + [pltpu.VMEM((C, D), jnp.float32)] * NBUF
            + [pltpu.VMEM_SHARED((NS * ((3 * L + NS * 8 - 1) // (NS * 8)) * 8,
                                  D), jnp.float32)]
            + [pltpu.SemaphoreType.DMA] * (3 * NBUF + 1)
        ),
    )
    def k(seq_hbm, lbl_hbm, tok_hbm, combo_hbm, out_hbm, *sc):
        sidx_all, cidx_all = sc[0], sc[1]
        tok = sc[2:2 + NBUF]
        combo_spm = sc[2 + NBUF]
        sems = sc[3 + NBUF:]
        tsem, csem = sems[:NBUF], sems[NBUF:2 * NBUF]
        wsem, psem = sems[2 * NBUF:3 * NBUF], sems[3 * NBUF]
        wid = lax.axis_index("s") * NC + lax.axis_index("c")
        tile_base = wid * rows_per_w
        sid = lax.axis_index("s")
        rows_per_tile = combo_spm.shape[0] // NS
        stg = pltpu.async_copy(
            combo_hbm.at[pl.ds(sid * rows_per_tile, rows_per_tile)],
            combo_spm.at[pl.ds(sid * rows_per_tile, rows_per_tile)], psem)
        sg = pltpu.async_copy(seq_hbm.at[wid], sidx_all, tsem[0])
        cg0 = pltpu.async_copy(lbl_hbm.at[wid], cidx_all, csem[0])
        sg.wait()
        cg0.wait()

        def cvt(c, lpos0):
            for j in range(C // _LANES):
                v = lpos0 + (j * _LANES + lax.iota(jnp.int32, _LANES))
                lpos = jnp.where(v >= L, v - L, v)
                sl = pl.ds(j * _LANES, _LANES)
                cidx_all[c, sl] = 3 * lpos + cidx_all[c, sl]
            nxt = lpos0 + C
            return jnp.where(nxt >= L, nxt - L, nxt)

        lax.fori_loop(0, chunks, cvt, jnp.int32(0), unroll=False)
        stg.wait()
        plsc.subcore_barrier()

        def body(kk, carry):
            c0 = kk * NBUF
            tgs = []
            for b in range(NBUF):
                @pl.when(kk > 0)
                def _(b=b):
                    pltpu.make_async_copy(
                        tok[b], out_hbm.at[pl.ds(tile_base, C)], wsem[b]
                    ).wait()
                tgs.append(pltpu.async_copy(tok_hbm.at[sidx_all.at[c0 + b]],
                                            tok[b], tsem[b]))
            cgs = []
            for b in range(NBUF):
                tgs[b].wait()
                cgs.append(pltpu.async_copy(combo_spm.at[cidx_all.at[c0 + b]],
                                            tok[b], csem[b], add=True))
            for b in range(NBUF):
                cgs[b].wait()
                base = tile_base + (c0 + b) * C
                pltpu.async_copy(tok[b], out_hbm.at[pl.ds(base, C)], wsem[b])
            return carry

        lax.fori_loop(0, chunks // NBUF, body, jnp.int32(0), unroll=False)
        for b in range(NBUF):
            pltpu.make_async_copy(
                tok[b], out_hbm.at[pl.ds(tile_base, C)], wsem[b]
            ).wait()

    seq3 = seq_flat.reshape(NW, chunks, C)
    lbl3 = lbl_flat.reshape(NW, chunks, C)
    return k(seq3, lbl3, token_table, combo)


def kernel(sequence, segment_label, token_table, segment_table):
    B, L = sequence.shape
    D = token_table.shape[1]
    NS = plsc.get_sparse_core_info().num_subcores
    combo_rows = NS * ((3 * L + NS * 8 - 1) // (NS * 8)) * 8
    combo = _build_combo(segment_table, combo_rows)
    seq_flat = sequence.reshape(-1).astype(jnp.int32)
    lbl_flat = segment_label.reshape(-1).astype(jnp.int32)
    out = _sc_lookup(seq_flat, lbl_flat, token_table, combo, L)
    return out.reshape(B, L, D)

# --- scband reference (transcript-rebuilt; emitter-appended) ---
"""Pipeline reference for scband-bertembedding-10754598109510 (READ-ONLY COPY).

The authoritative reference and input builder live on the scoring server;
editing this copy changes nothing except your own understanding.
"""

import math
import jax, jax.numpy as jnp
import numpy as np


def _sinusoidal_pe(seq_len, d_model):
    position = jnp.arange(seq_len, dtype=jnp.float32)[:, None]
    div_term = jnp.exp(jnp.arange(0, d_model, 2, dtype=jnp.float32) * -(math.log(10000.0) / d_model))
    angles = position * div_term[None, :]
    pe = jnp.zeros((seq_len, d_model), dtype=jnp.float32)
    pe = pe.at[:, 0::2].set(jnp.sin(angles))
    pe = pe.at[:, 1::2].set(jnp.cos(angles))
    return pe


def setup_inputs(seed: int = 0) -> dict:
    key = jax.random.key(seed)
    k1, k2, k3, k4 = jax.random.split(key, 4)
    B, L = 1024, 200
    vocab, d = 100000, 128
    sequence = jax.random.randint(k1, (B, L), 0, vocab, dtype=jnp.int64 if jax.config.jax_enable_x64 else jnp.int32)
    segment_label = jax.random.randint(k2, (B, L), 0, 3, dtype=jnp.int64 if jax.config.jax_enable_x64 else jnp.int32)
    token_table = jax.random.normal(k3, (vocab, d), dtype=jnp.float32)
    token_table = token_table.at[0].set(0.0)  # padding_idx=0
    segment_table = jax.random.normal(k4, (3, d), dtype=jnp.float32)
    segment_table = segment_table.at[0].set(0.0)  # padding_idx=0
    return {"sequence": sequence, "segment_label": segment_label, "token_table": token_table, "segment_table": segment_table}


def reference(sequence, segment_label, token_table, segment_table):
    # BERTEmbedding forward (eval mode => dropout is identity)
    L = sequence.shape[1]
    d = token_table.shape[1]
    tok = jnp.take(token_table, sequence, axis=0)          # TokenEmbedding gather
    pe = _sinusoidal_pe(L, d)[None, :, :]                   # PositionalEmbedding (buffer, no grad)
    seg = jnp.take(segment_table, segment_label, axis=0)    # SegmentEmbedding gather
    return tok + pe + seg

if __name__ == "__main__":
    import jax
    _d = setup_inputs()
    print(jax.jit(kernel)(*tuple(_d.values())))

</pallas_src>

<mosaic_0001>
#map = affine_map<(d0, d1) -> (0, 0, 0)>
#map1 = affine_map<(d0, d1) -> (0, 0)>
module attributes {stable_mosaic.version = 14 : i64} {
  func.func @k(%arg0: i32, %arg1: i32, %arg2: memref<32x50x128xi32, #tpu.memory_space<hbm>>, %arg3: memref<32x50x128xi32, #tpu.memory_space<hbm>>, %arg4: memref<100000x128xf32, #tpu.memory_space<hbm>>, %arg5: memref<640x128xf32, #tpu.memory_space<hbm>>, %arg6: memref<204800x128xf32, #tpu.memory_space<hbm>>, %arg7: memref<50x128xi32, #tpu.memory_space<vmem>>, %arg8: memref<50x128xi32, #tpu.memory_space<vmem>>, %arg9: memref<128x128xf32, #tpu.memory_space<vmem>>, %arg10: memref<128x128xf32, #tpu.memory_space<vmem>>, %arg11: memref<128x128xf32, #tpu.memory_space<vmem>>, %arg12: memref<128x128xf32, #tpu.memory_space<vmem>>, %arg13: memref<128x128xf32, #tpu.memory_space<vmem>>, %arg14: memref<640x128xf32, #tpu.memory_space<vmem_shared>>, %arg15: memref<!tpu.dma_semaphore, #tpu.memory_space<semaphore_mem>>, %arg16: memref<!tpu.dma_semaphore, #tpu.memory_space<semaphore_mem>>, %arg17: memref<!tpu.dma_semaphore, #tpu.memory_space<semaphore_mem>>, %arg18: memref<!tpu.dma_semaphore, #tpu.memory_space<semaphore_mem>>, %arg19: memref<!tpu.dma_semaphore, #tpu.memory_space<semaphore_mem>>, %arg20: memref<!tpu.dma_semaphore, #tpu.memory_space<semaphore_mem>>, %arg21: memref<!tpu.dma_semaphore, #tpu.memory_space<semaphore_mem>>, %arg22: memref<!tpu.dma_semaphore, #tpu.memory_space<semaphore_mem>>, %arg23: memref<!tpu.dma_semaphore, #tpu.memory_space<semaphore_mem>>, %arg24: memref<!tpu.dma_semaphore, #tpu.memory_space<semaphore_mem>>, %arg25: memref<!tpu.dma_semaphore, #tpu.memory_space<semaphore_mem>>, %arg26: memref<!tpu.dma_semaphore, #tpu.memory_space<semaphore_mem>>, %arg27: memref<!tpu.dma_semaphore, #tpu.memory_space<semaphore_mem>>, %arg28: memref<!tpu.dma_semaphore, #tpu.memory_space<semaphore_mem>>, %arg29: memref<!tpu.dma_semaphore, #tpu.memory_space<semaphore_mem>>, %arg30: memref<!tpu.dma_semaphore, #tpu.memory_space<semaphore_mem>>) attributes {dimension_semantics = [#tpu.dimension_semantics<core_parallel>, #tpu.dimension_semantics<subcore_parallel>], iteration_bounds = array<i64: 2, 16>, scalar_prefetch = 0 : i64, scratch_operands = 24 : i64, tpu.core_type = #tpu.core_type<sc_vector_subcore>, window_params = [{transform_indices = #map}, {transform_indices = #map}, {transform_indices = #map1}, {transform_indices = #map1}, {transform_indices = #map1}]} {
    %mul3A = arith.constant 2 : i32
    %mul3A_0 = arith.muli %arg1, %mul3A : i32
    %add3A = arith.addi %mul3A_0, %arg0 : i32
    %mul3A_1 = arith.constant 6400 : i32
    %mul3A_2 = arith.muli %add3A, %mul3A_1 : i32
    %mul3A_3 = arith.constant 40 : i32
    %mul3A_4 = arith.muli %arg1, %mul3A_3 : i32
    %mul3A_5 = arith.constant 40 : i32
    %mul3A_6 = arith.muli %arg1, %mul3A_5 : i32
    %dma_start3A = arith.constant 0 : i32
    %dma_start3A_7 = tpu.memref_slice %arg14[%mul3A_6, %dma_start3A] : memref<640x128xf32, #tpu.memory_space<vmem_shared>> -> memref<40x128xf32, #tpu.memory_space<vmem_shared>>
    %dma_start3A_8 = arith.constant 0 : i32
    %dma_start3A_9 = tpu.memref_slice %arg5[%mul3A_4, %dma_start3A_8] : memref<640x128xf32, #tpu.memory_space<hbm>> -> memref<40x128xf32, #tpu.memory_space<hbm>>
    tpu.enqueue_dma source(%dma_start3A_9 : memref<40x128xf32, #tpu.memory_space<hbm>>) target(%dma_start3A_7 : memref<40x128xf32, #tpu.memory_space<vmem_shared>>) target_semaphore(%arg30 : memref<!tpu.dma_semaphore, #tpu.memory_space<semaphore_mem>>)
    %dma_start3A_10 = arith.constant 0 : i32
    %dma_start3A_11 = arith.constant 0 : i32
    %dma_start3A_12 = tpu.memref_slice %arg2[%add3A, %dma_start3A_10, %dma_start3A_11] : memref<32x50x128xi32, #tpu.memory_space<hbm>> -> memref<1x50x128xi32, #tpu.memory_space<hbm>>
    %dma_start3A_13 = tpu.memref_squeeze %dma_start3A_12 : memref<1x50x128xi32, #tpu.memory_space<hbm>> -> memref<50x128xi32, #tpu.memory_space<hbm>>
    %dma_start3A_14 = arith.constant 0 : i32
    %dma_start3A_15 = arith.constant 0 : i32
    %dma_start3A_16 = tpu.memref_slice %arg2[%add3A, %dma_start3A_14, %dma_start3A_15] : memref<32x50x128xi32, #tpu.memory_space<hbm>> -> memref<1x50x128xi32, #tpu.memory_space<hbm>>
    %dma_start3A_17 = tpu.memref_squeeze %dma_start3A_16 : memref<1x50x128xi32, #tpu.memory_space<hbm>> -> memref<50x128xi32, #tpu.memory_space<hbm>>
    tpu.enqueue_dma source(%dma_start3A_17 : memref<50x128xi32, #tpu.memory_space<hbm>>) target(%arg7 : memref<50x128xi32, #tpu.memory_space<vmem>>) target_semaphore(%arg15 : memref<!tpu.dma_semaphore, #tpu.memory_space<semaphore_mem>>)
    %dma_start3A_18 = arith.constant 0 : i32
    %dma_start3A_19 = arith.constant 0 : i32
    %dma_start3A_20 = tpu.memref_slice %arg3[%add3A, %dma_start3A_18, %dma_start3A_19] : memref<32x50x128xi32, #tpu.memory_space<hbm>> -> memref<1x50x128xi32, #tpu.memory_space<hbm>>
    %dma_start3A_21 = tpu.memref_squeeze %dma_start3A_20 : memref<1x50x128xi32, #tpu.memory_space<hbm>> -> memref<50x128xi32, #tpu.memory_space<hbm>>
    %dma_start3A_22 = arith.constant 0 : i32
    %dma_start3A_23 = arith.constant 0 : i32
    %dma_start3A_24 = tpu.memref_slice %arg3[%add3A, %dma_start3A_22, %dma_start3A_23] : memref<32x50x128xi32, #tpu.memory_space<hbm>> -> memref<1x50x128xi32, #tpu.memory_space<hbm>>
    %dma_start3A_25 = tpu.memref_squeeze %dma_start3A_24 : memref<1x50x128xi32, #tpu.memory_space<hbm>> -> memref<50x128xi32, #tpu.memory_space<hbm>>
    tpu.enqueue_dma source(%dma_start3A_25 : memref<50x128xi32, #tpu.memory_space<hbm>>) target(%arg8 : memref<50x128xi32, #tpu.memory_space<vmem>>) target_semaphore(%arg20 : memref<!tpu.dma_semaphore, #tpu.memory_space<semaphore_mem>>)
    %dma_wait3A = arith.constant 0 : i32
    %dma_wait3A_26 = arith.constant 0 : i32
    %dma_wait3A_27 = tpu.memref_slice %arg2[%add3A, %dma_wait3A, %dma_wait3A_26] : memref<32x50x128xi32, #tpu.memory_space<hbm>> -> memref<1x50x128xi32, #tpu.memory_space<hbm>>
    %dma_wait3A_28 = tpu.memref_squeeze %dma_wait3A_27 : memref<1x50x128xi32, #tpu.memory_space<hbm>> -> memref<50x128xi32, #tpu.memory_space<hbm>>
    %dma_wait3A_29 = arith.constant 0 : i32
    %dma_wait3A_30 = arith.constant 0 : i32
    %dma_wait3A_31 = tpu.memref_slice %arg2[%add3A, %dma_wait3A_29, %dma_wait3A_30] : memref<32x50x128xi32, #tpu.memory_space<hbm>> -> memref<1x50x128xi32, #tpu.memory_space<hbm>>
    %dma_wait3A_32 = tpu.memref_squeeze %dma_wait3A_31 : memref<1x50x128xi32, #tpu.memory_space<hbm>> -> memref<50x128xi32, #tpu.memory_space<hbm>>
    tpu.wait_dma2 semaphore(%arg15 : memref<!tpu.dma_semaphore, #tpu.memory_space<semaphore_mem>>) src(%dma_wait3A_32 : memref<50x128xi32, #tpu.memory_space<hbm>>) dst(%arg7 : memref<50x128xi32, #tpu.memory_space<vmem>>)
    %dma_wait3A_33 = arith.constant 0 : i32
    %dma_wait3A_34 = arith.constant 0 : i32
    %dma_wait3A_35 = tpu.memref_slice %arg3[%add3A, %dma_wait3A_33, %dma_wait3A_34] : memref<32x50x128xi32, #tpu.memory_space<hbm>> -> memref<1x50x128xi32, #tpu.memory_space<hbm>>
    %dma_wait3A_36 = tpu.memref_squeeze %dma_wait3A_35 : memref<1x50x128xi32, #tpu.memory_space<hbm>> -> memref<50x128xi32, #tpu.memory_space<hbm>>
    %dma_wait3A_37 = arith.constant 0 : i32
    %dma_wait3A_38 = arith.constant 0 : i32
    %dma_wait3A_39 = tpu.memref_slice %arg3[%add3A, %dma_wait3A_37, %dma_wait3A_38] : memref<32x50x128xi32, #tpu.memory_space<hbm>> -> memref<1x50x128xi32, #tpu.memory_space<hbm>>
    %dma_wait3A_40 = tpu.memref_squeeze %dma_wait3A_39 : memref<1x50x128xi32, #tpu.memory_space<hbm>> -> memref<50x128xi32, #tpu.memory_space<hbm>>
    tpu.wait_dma2 semaphore(%arg20 : memref<!tpu.dma_semaphore, #tpu.memory_space<semaphore_mem>>) src(%dma_wait3A_40 : memref<50x128xi32, #tpu.memory_space<hbm>>) dst(%arg8 : memref<50x128xi32, #tpu.memory_space<vmem>>)
    %scan3A = arith.constant 0 : i32
    %scan3A_41 = arith.constant 0 : i32
    %scan3A_42 = arith.constant 50 : i32
    %scan3A_43 = arith.addi %scan3A_41, %scan3A_42 : i32
    %scan3A_44 = arith.constant 1 : i32
    %scan3A_45 = scf.for %scan3A_77 = %scan3A_41 to %scan3A_43 step %scan3A_44 iter_args(%scan3A_78 = %scan3A) -> (i32)  : i32 {
      %iota3A = tpu.iota {dimensions = array<i32: 0>} : vector<16xi32>
      %add3A_79 = arith.constant 0 : i32
      %add3A_80 = vector.broadcast %add3A_79 : i32 to vector<16xi32>
      %add3A_81 = arith.addi %add3A_80, %iota3A : vector<16xi32>
      %add3A_82 = vector.broadcast %scan3A_78 : i32 to vector<16xi32>
      %add3A_83 = arith.addi %add3A_82, %add3A_81 : vector<16xi32>
      %ge3A = arith.constant 200 : i32
      %ge3A_84 = vector.broadcast %ge3A : i32 to vector<16xi32>
      %ge3A_85 = arith.cmpi sge, %add3A_83, %ge3A_84 : vector<16xi32>
      %sub3A = arith.constant 200 : i32
      %sub3A_86 = vector.broadcast %sub3A : i32 to vector<16xi32>
      %sub3A_87 = arith.subi %add3A_83, %sub3A_86 : vector<16xi32>
      %select_n3A = arith.select %ge3A_85, %sub3A_87, %add3A_83 : vector<16xi1>, vector<16xi32>
      %mul3A_88 = arith.constant 3 : i32
      %mul3A_89 = vector.broadcast %mul3A_88 : i32 to vector<16xi32>
      %mul3A_90 = arith.muli %mul3A_89, %select_n3A : vector<16xi32>
      %get3A = arith.index_cast %scan3A_77 : i32 to index
      %get3A_91 = arith.constant 0 : index
      %get3A_92 = tpu.vector_load %arg8[%get3A, %get3A_91] {strides = array<i32>} : memref<50x128xi32, #tpu.memory_space<vmem>>, vector<1x16xi32>,
      %get3A_93 = vector.shape_cast %get3A_92 : vector<1x16xi32> to vector<16xi32>
      %add3A_94 = arith.addi %mul3A_90, %get3A_93 : vector<16xi32>
      %swap3A = arith.index_cast %scan3A_77 : i32 to index
      %swap3A_95 = arith.constant 0 : index
      %swap3A_96 = tpu.vector_load %arg8[%swap3A, %swap3A_95] {strides = array<i32>} : memref<50x128xi32, #tpu.memory_space<vmem>>, vector<1x16xi32>,
      %swap3A_97 = vector.shape_cast %swap3A_96 : vector<1x16xi32> to vector<16xi32>
      %swap3A_98 = vector.shape_cast %add3A_94 : vector<16xi32> to vector<1x16xi32>
      tpu.vector_store %arg8[%swap3A, %swap3A_95], %swap3A_98 {strides = array<i32>} : memref<50x128xi32, #tpu.memory_space<vmem>>, vector<1x16xi32>,
      %iota3A_99 = tpu.iota {dimensions = array<i32: 0>} : vector<16xi32>
      %add3A_100 = arith.constant 16 : i32
      %add3A_101 = vector.broadcast %add3A_100 : i32 to vector<16xi32>
      %add3A_102 = arith.addi %add3A_101, %iota3A_99 : vector<16xi32>
      %add3A_103 = vector.broadcast %scan3A_78 : i32 to vector<16xi32>
      %add3A_104 = arith.addi %add3A_103, %add3A_102 : vector<16xi32>
      %ge3A_105 = arith.constant 200 : i32
      %ge3A_106 = vector.broadcast %ge3A_105 : i32 to vector<16xi32>
      %ge3A_107 = arith.cmpi sge, %add3A_104, %ge3A_106 : vector<16xi32>
      %sub3A_108 = arith.constant 200 : i32
      %sub3A_109 = vector.broadcast %sub3A_108 : i32 to vector<16xi32>
      %sub3A_110 = arith.subi %add3A_104, %sub3A_109 : vector<16xi32>
      %select_n3A_111 = arith.select %ge3A_107, %sub3A_110, %add3A_104 : vector<16xi1>, vector<16xi32>
      %mul3A_112 = arith.constant 3 : i32
      %mul3A_113 = vector.broadcast %mul3A_112 : i32 to vector<16xi32>
      %mul3A_114 = arith.muli %mul3A_113, %select_n3A_111 : vector<16xi32>
      %get3A_115 = arith.index_cast %scan3A_77 : i32 to index
      %get3A_116 = arith.constant 16 : index
      %get3A_117 = tpu.vector_load %arg8[%get3A_115, %get3A_116] {strides = array<i32>} : memref<50x128xi32, #tpu.memory_space<vmem>>, vector<1x16xi32>,
      %get3A_118 = vector.shape_cast %get3A_117 : vector<1x16xi32> to vector<16xi32>
      %add3A_119 = arith.addi %mul3A_114, %get3A_118 : vector<16xi32>
      %swap3A_120 = arith.index_cast %scan3A_77 : i32 to index
      %swap3A_121 = arith.constant 16 : index
      %swap3A_122 = tpu.vector_load %arg8[%swap3A_120, %swap3A_121] {strides = array<i32>} : memref<50x128xi32, #tpu.memory_space<vmem>>, vector<1x16xi32>,
      %swap3A_123 = vector.shape_cast %swap3A_122 : vector<1x16xi32> to vector<16xi32>
      %swap3A_124 = vector.shape_cast %add3A_119 : vector<16xi32> to vector<1x16xi32>
      tpu.vector_store %arg8[%swap3A_120, %swap3A_121], %swap3A_124 {strides = array<i32>} : memref<50x128xi32, #tpu.memory_space<vmem>>, vector<1x16xi32>,
      %iota3A_125 = tpu.iota {dimensions = array<i32: 0>} : vector<16xi32>
      %add3A_126 = arith.constant 32 : i32
      %add3A_127 = vector.broadcast %add3A_126 : i32 to vector<16xi32>
      %add3A_128 = arith.addi %add3A_127, %iota3A_125 : vector<16xi32>
      %add3A_129 = vector.broadcast %scan3A_78 : i32 to vector<16xi32>
      %add3A_130 = arith.addi %add3A_129, %add3A_128 : vector<16xi32>
      %ge3A_131 = arith.constant 200 : i32
      %ge3A_132 = vector.broadcast %ge3A_131 : i32 to vector<16xi32>
      %ge3A_133 = arith.cmpi sge, %add3A_130, %ge3A_132 : vector<16xi32>
      %sub3A_134 = arith.constant 200 : i32
      %sub3A_135 = vector.broadcast %sub3A_134 : i32 to vector<16xi32>
      %sub3A_136 = arith.subi %add3A_130, %sub3A_135 : vector<16xi32>
      %select_n3A_137 = arith.select %ge3A_133, %sub3A_136, %add3A_130 : vector<16xi1>, vector<16xi32>
      %mul3A_138 = arith.constant 3 : i32
      %mul3A_139 = vector.broadcast %mul3A_138 : i32 to vector<16xi32>
      %mul3A_140 = arith.muli %mul3A_139, %select_n3A_137 : vector<16xi32>
      %get3A_141 = arith.index_cast %scan3A_77 : i32 to index
      %get3A_142 = arith.constant 32 : index
      %get3A_143 = tpu.vector_load %arg8[%get3A_141, %get3A_142] {strides = array<i32>} : memref<50x128xi32, #tpu.memory_space<vmem>>, vector<1x16xi32>,
      %get3A_144 = vector.shape_cast %get3A_143 : vector<1x16xi32> to vector<16xi32>
      %add3A_145 = arith.addi %mul3A_140, %get3A_144 : vector<16xi32>
      %swap3A_146 = arith.index_cast %scan3A_77 : i32 to index
      %swap3A_147 = arith.constant 32 : index
      %swap3A_148 = tpu.vector_load %arg8[%swap3A_146, %swap3A_147] {strides = array<i32>} : memref<50x128xi32, #tpu.memory_space<vmem>>, vector<1x16xi32>,
      %swap3A_149 = vector.shape_cast %swap3A_148 : vector<1x16xi32> to vector<16xi32>
      %swap3A_150 = vector.shape_cast %add3A_145 : vector<16xi32> to vector<1x16xi32>
      tpu.vector_store %arg8[%swap3A_146, %swap3A_147], %swap3A_150 {strides = array<i32>} : memref<50x128xi32, #tpu.memory_space<vmem>>, vector<1x16xi32>,
      %iota3A_151 = tpu.iota {dimensions = array<i32: 0>} : vector<16xi32>
      %add3A_152 = arith.constant 48 : i32
      %add3A_153 = vector.broadcast %add3A_152 : i32 to vector<16xi32>
      %add3A_154 = arith.addi %add3A_153, %iota3A_151 : vector<16xi32>
      %add3A_155 = vector.broadcast %scan3A_78 : i32 to vector<16xi32>
      %add3A_156 = arith.addi %add3A_155, %add3A_154 : vector<16xi32>
      %ge3A_157 = arith.constant 200 : i32
      %ge3A_158 = vector.broadcast %ge3A_157 : i32 to vector<16xi32>
      %ge3A_159 = arith.cmpi sge, %add3A_156, %ge3A_158 : vector<16xi32>
      %sub3A_160 = arith.constant 200 : i32
      %sub3A_161 = vector.broadcast %sub3A_160 : i32 to vector<16xi32>
      %sub3A_162 = arith.subi %add3A_156, %sub3A_161 : vector<16xi32>
      %select_n3A_163 = arith.select %ge3A_159, %sub3A_162, %add3A_156 : vector<16xi1>, vector<16xi32>
      %mul3A_164 = arith.constant 3 : i32
      %mul3A_165 = vector.broadcast %mul3A_164 : i32 to vector<16xi32>
      %mul3A_166 = arith.muli %mul3A_165, %select_n3A_163 : vector<16xi32>
      %get3A_167 = arith.index_cast %scan3A_77 : i32 to index
      %get3A_168 = arith.constant 48 : index
      %get3A_169 = tpu.vector_load %arg8[%get3A_167, %get3A_168] {strides = array<i32>} : memref<50x128xi32, #tpu.memory_space<vmem>>, vector<1x16xi32>,
      %get3A_170 = vector.shape_cast %get3A_169 : vector<1x16xi32> to vector<16xi32>
      %add3A_171 = arith.addi %mul3A_166, %get3A_170 : vector<16xi32>
      %swap3A_172 = arith.index_cast %scan3A_77 : i32 to index
      %swap3A_173 = arith.constant 48 : index
      %swap3A_174 = tpu.vector_load %arg8[%swap3A_172, %swap3A_173] {strides = array<i32>} : memref<50x128xi32, #tpu.memory_space<vmem>>, vector<1x16xi32>,
      %swap3A_175 = vector.shape_cast %swap3A_174 : vector<1x16xi32> to vector<16xi32>
      %swap3A_176 = vector.shape_cast %add3A_171 : vector<16xi32> to vector<1x16xi32>
      tpu.vector_store %arg8[%swap3A_172, %swap3A_173], %swap3A_176 {strides = array<i32>} : memref<50x128xi32, #tpu.memory_space<vmem>>, vector<1x16xi32>,
      %iota3A_177 = tpu.iota {dimensions = array<i32: 0>} : vector<16xi32>
      %add3A_178 = arith.constant 64 : i32
      %add3A_179 = vector.broadcast %add3A_178 : i32 to vector<16xi32>
      %add3A_180 = arith.addi %add3A_179, %iota3A_177 : vector<16xi32>
      %add3A_181 = vector.broadcast %scan3A_78 : i32 to vector<16xi32>
      %add3A_182 = arith.addi %add3A_181, %add3A_180 : vector<16xi32>
      %ge3A_183 = arith.constant 200 : i32
      %ge3A_184 = vector.broadcast %ge3A_183 : i32 to vector<16xi32>
      %ge3A_185 = arith.cmpi sge, %add3A_182, %ge3A_184 : vector<16xi32>
      %sub3A_186 = arith.constant 200 : i32
      %sub3A_187 = vector.broadcast %sub3A_186 : i32 to vector<16xi32>
      %sub3A_188 = arith.subi %add3A_182, %sub3A_187 : vector<16xi32>
      %select_n3A_189 = arith.select %ge3A_185, %sub3A_188, %add3A_182 : vector<16xi1>, vector<16xi32>
      %mul3A_190 = arith.constant 3 : i32
      %mul3A_191 = vector.broadcast %mul3A_190 : i32 to vector<16xi32>
      %mul3A_192 = arith.muli %mul3A_191, %select_n3A_189 : vector<16xi32>
      %get3A_193 = arith.index_cast %scan3A_77 : i32 to index
      %get3A_194 = arith.constant 64 : index
      %get3A_195 = tpu.vector_load %arg8[%get3A_193, %get3A_194] {strides = array<i32>} : memref<50x128xi32, #tpu.memory_space<vmem>>, vector<1x16xi32>,
      %get3A_196 = vector.shape_cast %get3A_195 : vector<1x16xi32> to vector<16xi32>
      %add3A_197 = arith.addi %mul3A_192, %get3A_196 : vector<16xi32>
      %swap3A_198 = arith.index_cast %scan3A_77 : i32 to index
      %swap3A_199 = arith.constant 64 : index
      %swap3A_200 = tpu.vector_load %arg8[%swap3A_198, %swap3A_199] {strides = array<i32>} : memref<50x128xi32, #tpu.memory_space<vmem>>, vector<1x16xi32>,
      %swap3A_201 = vector.shape_cast %swap3A_200 : vector<1x16xi32> to vector<16xi32>
      %swap3A_202 = vector.shape_cast %add3A_197 : vector<16xi32> to vector<1x16xi32>
      tpu.vector_store %arg8[%swap3A_198, %swap3A_199], %swap3A_202 {strides = array<i32>} : memref<50x128xi32, #tpu.memory_space<vmem>>, vector<1x16xi32>,
      %iota3A_203 = tpu.iota {dimensions = array<i32: 0>} : vector<16xi32>
      %add3A_204 = arith.constant 80 : i32
      %add3A_205 = vector.broadcast %add3A_204 : i32 to vector<16xi32>
      %add3A_206 = arith.addi %add3A_205, %iota3A_203 : vector<16xi32>
      %add3A_207 = vector.broadcast %scan3A_78 : i32 to vector<16xi32>
      %add3A_208 = arith.addi %add3A_207, %add3A_206 : vector<16xi32>
      %ge3A_209 = arith.constant 200 : i32
      %ge3A_210 = vector.broadcast %ge3A_209 : i32 to vector<16xi32>
      %ge3A_211 = arith.cmpi sge, %add3A_208, %ge3A_210 : vector<16xi32>
      %sub3A_212 = arith.constant 200 : i32
      %sub3A_213 = vector.broadcast %sub3A_212 : i32 to vector<16xi32>
      %sub3A_214 = arith.subi %add3A_208, %sub3A_213 : vector<16xi32>
      %select_n3A_215 = arith.select %ge3A_211, %sub3A_214, %add3A_208 : vector<16xi1>, vector<16xi32>
      %mul3A_216 = arith.constant 3 : i32
      %mul3A_217 = vector.broadcast %mul3A_216 : i32 to vector<16xi32>
      %mul3A_218 = arith.muli %mul3A_217, %select_n3A_215 : vector<16xi32>
      %get3A_219 = arith.index_cast %scan3A_77 : i32 to index
      %get3A_220 = arith.constant 80 : index
      %get3A_221 = tpu.vector_load %arg8[%get3A_219, %get3A_220] {strides = array<i32>} : memref<50x128xi32, #tpu.memory_space<vmem>>, vector<1x16xi32>,
      %get3A_222 = vector.shape_cast %get3A_221 : vector<1x16xi32> to vector<16xi32>
      %add3A_223 = arith.addi %mul3A_218, %get3A_222 : vector<16xi32>
      %swap3A_224 = arith.index_cast %scan3A_77 : i32 to index
      %swap3A_225 = arith.constant 80 : index
      %swap3A_226 = tpu.vector_load %arg8[%swap3A_224, %swap3A_225] {strides = array<i32>} : memref<50x128xi32, #tpu.memory_space<vmem>>, vector<1x16xi32>,
      %swap3A_227 = vector.shape_cast %swap3A_226 : vector<1x16xi32> to vector<16xi32>
      %swap3A_228 = vector.shape_cast %add3A_223 : vector<16xi32> to vector<1x16xi32>
      tpu.vector_store %arg8[%swap3A_224, %swap3A_225], %swap3A_228 {strides = array<i32>} : memref<50x128xi32, #tpu.memory_space<vmem>>, vector<1x16xi32>,
      %iota3A_229 = tpu.iota {dimensions = array<i32: 0>} : vector<16xi32>
      %add3A_230 = arith.constant 96 : i32
      %add3A_231 = vector.broadcast %add3A_230 : i32 to vector<16xi32>
      %add3A_232 = arith.addi %add3A_231, %iota3A_229 : vector<16xi32>
      %add3A_233 = vector.broadcast %scan3A_78 : i32 to vector<16xi32>
      %add3A_234 = arith.addi %add3A_233, %add3A_232 : vector<16xi32>
      %ge3A_235 = arith.constant 200 : i32
      %ge3A_236 = vector.broadcast %ge3A_235 : i32 to vector<16xi32>
      %ge3A_237 = arith.cmpi sge, %add3A_234, %ge3A_236 : vector<16xi32>
      %sub3A_238 = arith.constant 200 : i32
      %sub3A_239 = vector.broadcast %sub3A_238 : i32 to vector<16xi32>
      %sub3A_240 = arith.subi %add3A_234, %sub3A_239 : vector<16xi32>
      %select_n3A_241 = arith.select %ge3A_237, %sub3A_240, %add3A_234 : vector<16xi1>, vector<16xi32>
      %mul3A_242 = arith.constant 3 : i32
      %mul3A_243 = vector.broadcast %mul3A_242 : i32 to vector<16xi32>
      %mul3A_244 = arith.muli %mul3A_243, %select_n3A_241 : vector<16xi32>
      %get3A_245 = arith.index_cast %scan3A_77 : i32 to index
      %get3A_246 = arith.constant 96 : index
      %get3A_247 = tpu.vector_load %arg8[%get3A_245, %get3A_246] {strides = array<i32>} : memref<50x128xi32, #tpu.memory_space<vmem>>, vector<1x16xi32>,
      %get3A_248 = vector.shape_cast %get3A_247 : vector<1x16xi32> to vector<16xi32>
      %add3A_249 = arith.addi %mul3A_244, %get3A_248 : vector<16xi32>
      %swap3A_250 = arith.index_cast %scan3A_77 : i32 to index
      %swap3A_251 = arith.constant 96 : index
      %swap3A_252 = tpu.vector_load %arg8[%swap3A_250, %swap3A_251] {strides = array<i32>} : memref<50x128xi32, #tpu.memory_space<vmem>>, vector<1x16xi32>,
      %swap3A_253 = vector.shape_cast %swap3A_252 : vector<1x16xi32> to vector<16xi32>
      %swap3A_254 = vector.shape_cast %add3A_249 : vector<16xi32> to vector<1x16xi32>
      tpu.vector_store %arg8[%swap3A_250, %swap3A_251], %swap3A_254 {strides = array<i32>} : memref<50x128xi32, #tpu.memory_space<vmem>>, vector<1x16xi32>,
      %iota3A_255 = tpu.iota {dimensions = array<i32: 0>} : vector<16xi32>
      %add3A_256 = arith.constant 112 : i32
      %add3A_257 = vector.broadcast %add3A_256 : i32 to vector<16xi32>
      %add3A_258 = arith.addi %add3A_257, %iota3A_255 : vector<16xi32>
      %add3A_259 = vector.broadcast %scan3A_78 : i32 to vector<16xi32>
      %add3A_260 = arith.addi %add3A_259, %add3A_258 : vector<16xi32>
      %ge3A_261 = arith.constant 200 : i32
      %ge3A_262 = vector.broadcast %ge3A_261 : i32 to vector<16xi32>
      %ge3A_263 = arith.cmpi sge, %add3A_260, %ge3A_262 : vector<16xi32>
      %sub3A_264 = arith.constant 200 : i32
      %sub3A_265 = vector.broadcast %sub3A_264 : i32 to vector<16xi32>
      %sub3A_266 = arith.subi %add3A_260, %sub3A_265 : vector<16xi32>
      %select_n3A_267 = arith.select %ge3A_263, %sub3A_266, %add3A_260 : vector<16xi1>, vector<16xi32>
      %mul3A_268 = arith.constant 3 : i32
      %mul3A_269 = vector.broadcast %mul3A_268 : i32 to vector<16xi32>
      %mul3A_270 = arith.muli %mul3A_269, %select_n3A_267 : vector<16xi32>
      %get3A_271 = arith.index_cast %scan3A_77 : i32 to index
      %get3A_272 = arith.constant 112 : index
      %get3A_273 = tpu.vector_load %arg8[%get3A_271, %get3A_272] {strides = array<i32>} : memref<50x128xi32, #tpu.memory_space<vmem>>, vector<1x16xi32>,
      %get3A_274 = vector.shape_cast %get3A_273 : vector<1x16xi32> to vector<16xi32>
      %add3A_275 = arith.addi %mul3A_270, %get3A_274 : vector<16xi32>
      %swap3A_276 = arith.index_cast %scan3A_77 : i32 to index
      %swap3A_277 = arith.constant 112 : index
      %swap3A_278 = tpu.vector_load %arg8[%swap3A_276, %swap3A_277] {strides = array<i32>} : memref<50x128xi32, #tpu.memory_space<vmem>>, vector<1x16xi32>,
      %swap3A_279 = vector.shape_cast %swap3A_278 : vector<1x16xi32> to vector<16xi32>
      %swap3A_280 = vector.shape_cast %add3A_275 : vector<16xi32> to vector<1x16xi32>
      tpu.vector_store %arg8[%swap3A_276, %swap3A_277], %swap3A_280 {strides = array<i32>} : memref<50x128xi32, #tpu.memory_space<vmem>>, vector<1x16xi32>,
      %add3A_281 = arith.constant 128 : i32
      %add3A_282 = arith.addi %scan3A_78, %add3A_281 : i32
      %ge3A_283 = arith.constant 200 : i32
      %ge3A_284 = arith.cmpi sge, %add3A_282, %ge3A_283 : i32
      %sub3A_285 = arith.constant 200 : i32
      %sub3A_286 = arith.subi %add3A_282, %sub3A_285 : i32
      %select_n3A_287 = arith.select %ge3A_284, %sub3A_286, %add3A_282 : i32
      scf.yield %select_n3A_287 : i32
    }
    %scan3A_46 = arith.constant 50 : i32
    %dma_wait3A_47 = arith.constant 0 : i32
    %dma_wait3A_48 = tpu.memref_slice %arg14[%mul3A_6, %dma_wait3A_47] : memref<640x128xf32, #tpu.memory_space<vmem_shared>> -> memref<40x128xf32, #tpu.memory_space<vmem_shared>>
    %dma_wait3A_49 = arith.constant 0 : i32
    %dma_wait3A_50 = tpu.memref_slice %arg5[%mul3A_4, %dma_wait3A_49] : memref<640x128xf32, #tpu.memory_space<hbm>> -> memref<40x128xf32, #tpu.memory_space<hbm>>
    tpu.wait_dma2 semaphore(%arg30 : memref<!tpu.dma_semaphore, #tpu.memory_space<semaphore_mem>>) src(%dma_wait3A_50 : memref<40x128xf32, #tpu.memory_space<hbm>>) dst(%dma_wait3A_48 : memref<40x128xf32, #tpu.memory_space<vmem_shared>>)
    %barrier3A = arith.constant 0 : index
    tpu.barrier barrier_id(%barrier3A)
    %scan3A_51 = arith.constant 0 : i32
    %scan3A_52 = arith.constant 0 : i32
    %scan3A_53 = arith.constant 10 : i32
    %scan3A_54 = arith.addi %scan3A_52, %scan3A_53 : i32
    %scan3A_55 = arith.constant 1 : i32
    scf.for %scan3A_77 = %scan3A_52 to %scan3A_54 step %scan3A_55  : i32 {
      %mul3A_78 = arith.constant 5 : i32
      %mul3A_79 = arith.muli %scan3A_77, %mul3A_78 : i32
      %gt3A = arith.constant 0 : i32
      %gt3A_80 = arith.cmpi sgt, %scan3A_77, %gt3A : i32
      %convert_element_type3A = arith.extui %gt3A_80 : i1 to i32
      %cond3A = arith.constant 0 : i32
      %cond3A_81 = arith.cmpi ne, %convert_element_type3A, %cond3A : i32
      scf.if %cond3A_81 {
        %dma_wait3A_287 = arith.constant 0 : i32
        %dma_wait3A_288 = tpu.memref_slice %arg6[%mul3A_2, %dma_wait3A_287] : memref<204800x128xf32, #tpu.memory_space<hbm>> -> memref<128x128xf32, #tpu.memory_space<hbm>>
        %dma_wait3A_289 = arith.constant 0 : i32
        %dma_wait3A_290 = tpu.memref_slice %arg6[%mul3A_2, %dma_wait3A_289] : memref<204800x128xf32, #tpu.memory_space<hbm>> -> memref<128x128xf32, #tpu.memory_space<hbm>>
        tpu.wait_dma2 semaphore(%arg25 : memref<!tpu.dma_semaphore, #tpu.memory_space<semaphore_mem>>) src(%arg9 : memref<128x128xf32, #tpu.memory_space<vmem>>) dst(%dma_wait3A_290 : memref<128x128xf32, #tpu.memory_space<hbm>>)
      } else {
      }
      %add3A_82 = arith.constant 0 : i32
      %add3A_83 = arith.addi %mul3A_79, %add3A_82 : i32
      %dma_start3A_84 = arith.constant 0 : i32
      %dma_start3A_85 = tpu.memref_slice %arg7[%add3A_83, %dma_start3A_84] : memref<50x128xi32, #tpu.memory_space<vmem>> -> memref<1x128xi32, #tpu.memory_space<vmem>>
      %dma_start3A_86 = tpu.memref_squeeze %dma_start3A_85 : memref<1x128xi32, #tpu.memory_space<vmem>> -> memref<128xi32, #tpu.memory_space<vmem>>
      %dma_start3A_87 = arith.constant 0 : i32
      %dma_start3A_88 = arith.constant 0 : i32
      %dma_start3A_89 = tpu.memref_slice %arg4[%dma_start3A_87, %dma_start3A_88] : memref<100000x128xf32, #tpu.memory_space<hbm>> -> memref<100000x128xf32, #tpu.memory_space<hbm>>
      tpu.enqueue_indirect_dma source(%dma_start3A_89 : memref<100000x128xf32, #tpu.memory_space<hbm>>) target(%arg9 : memref<128x128xf32, #tpu.memory_space<vmem>>) offsets(%dma_start3A_86 : memref<128xi32, #tpu.memory_space<vmem>>) semaphore(%arg15 : memref<!tpu.dma_semaphore, #tpu.memory_space<semaphore_mem>>)
      %gt3A_90 = arith.constant 0 : i32
      %gt3A_91 = arith.cmpi sgt, %scan3A_77, %gt3A_90 : i32
      %convert_element_type3A_92 = arith.extui %gt3A_91 : i1 to i32
      %cond3A_93 = arith.constant 0 : i32
      %cond3A_94 = arith.cmpi ne, %convert_element_type3A_92, %cond3A_93 : i32
      scf.if %cond3A_94 {
        %dma_wait3A_287 = arith.constant 0 : i32
        %dma_wait3A_288 = tpu.memref_slice %arg6[%mul3A_2, %dma_wait3A_287] : memref<204800x128xf32, #tpu.memory_space<hbm>> -> memref<128x128xf32, #tpu.memory_space<hbm>>
        %dma_wait3A_289 = arith.constant 0 : i32
        %dma_wait3A_290 = tpu.memref_slice %arg6[%mul3A_2, %dma_wait3A_289] : memref<204800x128xf32, #tpu.memory_space<hbm>> -> memref<128x128xf32, #tpu.memory_space<hbm>>
        tpu.wait_dma2 semaphore(%arg26 : memref<!tpu.dma_semaphore, #tpu.memory_space<semaphore_mem>>) src(%arg10 : memref<128x128xf32, #tpu.memory_space<vmem>>) dst(%dma_wait3A_290 : memref<128x128xf32, #tpu.memory_space<hbm>>)
      } else {
      }
      %add3A_95 = arith.constant 1 : i32
      %add3A_96 = arith.addi %mul3A_79, %add3A_95 : i32
      %dma_start3A_97 = arith.constant 0 : i32
      %dma_start3A_98 = tpu.memref_slice %arg7[%add3A_96, %dma_start3A_97] : memref<50x128xi32, #tpu.memory_space<vmem>> -> memref<1x128xi32, #tpu.memory_space<vmem>>
      %dma_start3A_99 = tpu.memref_squeeze %dma_start3A_98 : memref<1x128xi32, #tpu.memory_space<vmem>> -> memref<128xi32, #tpu.memory_space<vmem>>
      %dma_start3A_100 = arith.constant 0 : i32
      %dma_start3A_101 = arith.constant 0 : i32
      %dma_start3A_102 = tpu.memref_slice %arg4[%dma_start3A_100, %dma_start3A_101] : memref<100000x128xf32, #tpu.memory_space<hbm>> -> memref<100000x128xf32, #tpu.memory_space<hbm>>
      tpu.enqueue_indirect_dma source(%dma_start3A_102 : memref<100000x128xf32, #tpu.memory_space<hbm>>) target(%arg10 : memref<128x128xf32, #tpu.memory_space<vmem>>) offsets(%dma_start3A_99 : memref<128xi32, #tpu.memory_space<vmem>>) semaphore(%arg16 : memref<!tpu.dma_semaphore, #tpu.memory_space<semaphore_mem>>)
      %gt3A_103 = arith.constant 0 : i32
      %gt3A_104 = arith.cmpi sgt, %scan3A_77, %gt3A_103 : i32
      %convert_element_type3A_105 = arith.extui %gt3A_104 : i1 to i32
      %cond3A_106 = arith.constant 0 : i32
      %cond3A_107 = arith.cmpi ne, %convert_element_type3A_105, %cond3A_106 : i32
      scf.if %cond3A_107 {
        %dma_wait3A_287 = arith.constant 0 : i32
        %dma_wait3A_288 = tpu.memref_slice %arg6[%mul3A_2, %dma_wait3A_287] : memref<204800x128xf32, #tpu.memory_space<hbm>> -> memref<128x128xf32, #tpu.memory_space<hbm>>
        %dma_wait3A_289 = arith.constant 0 : i32
        %dma_wait3A_290 = tpu.memref_slice %arg6[%mul3A_2, %dma_wait3A_289] : memref<204800x128xf32, #tpu.memory_space<hbm>> -> memref<128x128xf32, #tpu.memory_space<hbm>>
        tpu.wait_dma2 semaphore(%arg27 : memref<!tpu.dma_semaphore, #tpu.memory_space<semaphore_mem>>) src(%arg11 : memref<128x128xf32, #tpu.memory_space<vmem>>) dst(%dma_wait3A_290 : memref<128x128xf32, #tpu.memory_space<hbm>>)
      } else {
      }
      %add3A_108 = arith.constant 2 : i32
      %add3A_109 = arith.addi %mul3A_79, %add3A_108 : i32
      %dma_start3A_110 = arith.constant 0 : i32
      %dma_start3A_111 = tpu.memref_slice %arg7[%add3A_109, %dma_start3A_110] : memref<50x128xi32, #tpu.memory_space<vmem>> -> memref<1x128xi32, #tpu.memory_space<vmem>>
      %dma_start3A_112 = tpu.memref_squeeze %dma_start3A_111 : memref<1x128xi32, #tpu.memory_space<vmem>> -> memref<128xi32, #tpu.memory_space<vmem>>
      %dma_start3A_113 = arith.constant 0 : i32
      %dma_start3A_114 = arith.constant 0 : i32
      %dma_start3A_115 = tpu.memref_slice %arg4[%dma_start3A_113, %dma_start3A_114] : memref<100000x128xf32, #tpu.memory_space<hbm>> -> memref<100000x128xf32, #tpu.memory_space<hbm>>
      tpu.enqueue_indirect_dma source(%dma_start3A_115 : memref<100000x128xf32, #tpu.memory_space<hbm>>) target(%arg11 : memref<128x128xf32, #tpu.memory_space<vmem>>) offsets(%dma_start3A_112 : memref<128xi32, #tpu.memory_space<vmem>>) semaphore(%arg17 : memref<!tpu.dma_semaphore, #tpu.memory_space<semaphore_mem>>)
      %gt3A_116 = arith.constant 0 : i32
      %gt3A_117 = arith.cmpi sgt, %scan3A_77, %gt3A_116 : i32
      %convert_element_type3A_118 = arith.extui %gt3A_117 : i1 to i32
      %cond3A_119 = arith.constant 0 : i32
      %cond3A_120 = arith.cmpi ne, %convert_element_type3A_118, %cond3A_119 : i32
      scf.if %cond3A_120 {
        %dma_wait3A_287 = arith.constant 0 : i32
        %dma_wait3A_288 = tpu.memref_slice %arg6[%mul3A_2, %dma_wait3A_287] : memref<204800x128xf32, #tpu.memory_space<hbm>> -> memref<128x128xf32, #tpu.memory_space<hbm>>
        %dma_wait3A_289 = arith.constant 0 : i32
        %dma_wait3A_290 = tpu.memref_slice %arg6[%mul3A_2, %dma_wait3A_289] : memref<204800x128xf32, #tpu.memory_space<hbm>> -> memref<128x128xf32, #tpu.memory_space<hbm>>
        tpu.wait_dma2 semaphore(%arg28 : memref<!tpu.dma_semaphore, #tpu.memory_space<semaphore_mem>>) src(%arg12 : memref<128x128xf32, #tpu.memory_space<vmem>>) dst(%dma_wait3A_290 : memref<128x128xf32, #tpu.memory_space<hbm>>)
      } else {
      }
      %add3A_121 = arith.constant 3 : i32
      %add3A_122 = arith.addi %mul3A_79, %add3A_121 : i32
      %dma_start3A_123 = arith.constant 0 : i32
      %dma_start3A_124 = tpu.memref_slice %arg7[%add3A_122, %dma_start3A_123] : memref<50x128xi32, #tpu.memory_space<vmem>> -> memref<1x128xi32, #tpu.memory_space<vmem>>
      %dma_start3A_125 = tpu.memref_squeeze %dma_start3A_124 : memref<1x128xi32, #tpu.memory_space<vmem>> -> memref<128xi32, #tpu.memory_space<vmem>>
      %dma_start3A_126 = arith.constant 0 : i32
      %dma_start3A_127 = arith.constant 0 : i32
      %dma_start3A_128 = tpu.memref_slice %arg4[%dma_start3A_126, %dma_start3A_127] : memref<100000x128xf32, #tpu.memory_space<hbm>> -> memref<100000x128xf32, #tpu.memory_space<hbm>>
      tpu.enqueue_indirect_dma source(%dma_start3A_128 : memref<100000x128xf32, #tpu.memory_space<hbm>>) target(%arg12 : memref<128x128xf32, #tpu.memory_space<vmem>>) offsets(%dma_start3A_125 : memref<128xi32, #tpu.memory_space<vmem>>) semaphore(%arg18 : memref<!tpu.dma_semaphore, #tpu.memory_space<semaphore_mem>>)
      %gt3A_129 = arith.constant 0 : i32
      %gt3A_130 = arith.cmpi sgt, %scan3A_77, %gt3A_129 : i32
      %convert_element_type3A_131 = arith.extui %gt3A_130 : i1 to i32
      %cond3A_132 = arith.constant 0 : i32
      %cond3A_133 = arith.cmpi ne, %convert_element_type3A_131, %cond3A_132 : i32
      scf.if %cond3A_133 {
        %dma_wait3A_287 = arith.constant 0 : i32
        %dma_wait3A_288 = tpu.memref_slice %arg6[%mul3A_2, %dma_wait3A_287] : memref<204800x128xf32, #tpu.memory_space<hbm>> -> memref<128x128xf32, #tpu.memory_space<hbm>>
        %dma_wait3A_289 = arith.constant 0 : i32
        %dma_wait3A_290 = tpu.memref_slice %arg6[%mul3A_2, %dma_wait3A_289] : memref<204800x128xf32, #tpu.memory_space<hbm>> -> memref<128x128xf32, #tpu.memory_space<hbm>>
        tpu.wait_dma2 semaphore(%arg29 : memref<!tpu.dma_semaphore, #tpu.memory_space<semaphore_mem>>) src(%arg13 : memref<128x128xf32, #tpu.memory_space<vmem>>) dst(%dma_wait3A_290 : memref<128x128xf32, #tpu.memory_space<hbm>>)
      } else {
      }
      %add3A_134 = arith.constant 4 : i32
      %add3A_135 = arith.addi %mul3A_79, %add3A_134 : i32
      %dma_start3A_136 = arith.constant 0 : i32
      %dma_start3A_137 = tpu.memref_slice %arg7[%add3A_135, %dma_start3A_136] : memref<50x128xi32, #tpu.memory_space<vmem>> -> memref<1x128xi32, #tpu.memory_space<vmem>>
      %dma_start3A_138 = tpu.memref_squeeze %dma_start3A_137 : memref<1x128xi32, #tpu.memory_space<vmem>> -> memref<128xi32, #tpu.memory_space<vmem>>
      %dma_start3A_139 = arith.constant 0 : i32
      %dma_start3A_140 = arith.constant 0 : i32
      %dma_start3A_141 = tpu.memref_slice %arg4[%dma_start3A_139, %dma_start3A_140] : memref<100000x128xf32, #tpu.memory_space<hbm>> -> memref<100000x128xf32, #tpu.memory_space<hbm>>
      tpu.enqueue_indirect_dma source(%dma_start3A_141 : memref<100000x128xf32, #tpu.memory_space<hbm>>) target(%arg13 : memref<128x128xf32, #tpu.memory_space<vmem>>) offsets(%dma_start3A_138 : memref<128xi32, #tpu.memory_space<vmem>>) semaphore(%arg19 : memref<!tpu.dma_semaphore, #tpu.memory_space<semaphore_mem>>)
      %dma_wait3A_142 = arith.constant 0 : i32
      %dma_wait3A_143 = tpu.memref_slice %arg7[%add3A_83, %dma_wait3A_142] : memref<50x128xi32, #tpu.memory_space<vmem>> -> memref<1x128xi32, #tpu.memory_space<vmem>>
      %dma_wait3A_144 = tpu.memref_squeeze %dma_wait3A_143 : memref<1x128xi32, #tpu.memory_space<vmem>> -> memref<128xi32, #tpu.memory_space<vmem>>
      %dma_wait3A_145 = arith.constant 0 : i32
      %dma_wait3A_146 = arith.constant 0 : i32
      %dma_wait3A_147 = tpu.memref_slice %arg4[%dma_wait3A_145, %dma_wait3A_146] : memref<100000x128xf32, #tpu.memory_space<hbm>> -> memref<100000x128xf32, #tpu.memory_space<hbm>>
      tpu.wait_indirect_dma semaphore(%arg15 : memref<!tpu.dma_semaphore, #tpu.memory_space<semaphore_mem>>) src(%dma_wait3A_147 : memref<100000x128xf32, #tpu.memory_space<hbm>>) dst(%arg9 : memref<128x128xf32, #tpu.memory_space<vmem>>)
      %add3A_148 = arith.constant 0 : i32
      %add3A_149 = arith.addi %mul3A_79, %add3A_148 : i32
      %dma_start3A_150 = arith.constant 0 : i32
      %dma_start3A_151 = tpu.memref_slice %arg8[%add3A_149, %dma_start3A_150] : memref<50x128xi32, #tpu.memory_space<vmem>> -> memref<1x128xi32, #tpu.memory_space<vmem>>
      %dma_start3A_152 = tpu.memref_squeeze %dma_start3A_151 : memref<1x128xi32, #tpu.memory_space<vmem>> -> memref<128xi32, #tpu.memory_space<vmem>>
      %dma_start3A_153 = arith.constant 0 : i32
      %dma_start3A_154 = arith.constant 0 : i32
      %dma_start3A_155 = tpu.memref_slice %arg14[%dma_start3A_153, %dma_start3A_154] : memref<640x128xf32, #tpu.memory_space<vmem_shared>> -> memref<640x128xf32, #tpu.memory_space<vmem_shared>>
      tpu.enqueue_indirect_dma source(%dma_start3A_155 : memref<640x128xf32, #tpu.memory_space<vmem_shared>>) target(%arg9 : memref<128x128xf32, #tpu.memory_space<vmem>>) offsets(%dma_start3A_152 : memref<128xi32, #tpu.memory_space<vmem>>) semaphore(%arg20 : memref<!tpu.dma_semaphore, #tpu.memory_space<semaphore_mem>>) {add = true}
      %dma_wait3A_156 = arith.constant 0 : i32
      %dma_wait3A_157 = tpu.memref_slice %arg7[%add3A_96, %dma_wait3A_156] : memref<50x128xi32, #tpu.memory_space<vmem>> -> memref<1x128xi32, #tpu.memory_space<vmem>>
      %dma_wait3A_158 = tpu.memref_squeeze %dma_wait3A_157 : memref<1x128xi32, #tpu.memory_space<vmem>> -> memref<128xi32, #tpu.memory_space<vmem>>
      %dma_wait3A_159 = arith.constant 0 : i32
      %dma_wait3A_160 = arith.constant 0 : i32
      %dma_wait3A_161 = tpu.memref_slice %arg4[%dma_wait3A_159, %dma_wait3A_160] : memref<100000x128xf32, #tpu.memory_space<hbm>> -> memref<100000x128xf32, #tpu.memory_space<hbm>>
      tpu.wait_indirect_dma semaphore(%arg16 : memref<!tpu.dma_semaphore, #tpu.memory_space<semaphore_mem>>) src(%dma_wait3A_161 : memref<100000x128xf32, #tpu.memory_space<hbm>>) dst(%arg10 : memref<128x128xf32, #tpu.memory_space<vmem>>)
      %add3A_162 = arith.constant 1 : i32
      %add3A_163 = arith.addi %mul3A_79, %add3A_162 : i32
      %dma_start3A_164 = arith.constant 0 : i32
      %dma_start3A_165 = tpu.memref_slice %arg8[%add3A_163, %dma_start3A_164] : memref<50x128xi32, #tpu.memory_space<vmem>> -> memref<1x128xi32, #tpu.memory_space<vmem>>
      %dma_start3A_166 = tpu.memref_squeeze %dma_start3A_165 : memref<1x128xi32, #tpu.memory_space<vmem>> -> memref<128xi32, #tpu.memory_space<vmem>>
      %dma_start3A_167 = arith.constant 0 : i32
      %dma_start3A_168 = arith.constant 0 : i32
      %dma_start3A_169 = tpu.memref_slice %arg14[%dma_start3A_167, %dma_start3A_168] : memref<640x128xf32, #tpu.memory_space<vmem_shared>> -> memref<640x128xf32, #tpu.memory_space<vmem_shared>>
      tpu.enqueue_indirect_dma source(%dma_start3A_169 : memref<640x128xf32, #tpu.memory_space<vmem_shared>>) target(%arg10 : memref<128x128xf32, #tpu.memory_space<vmem>>) offsets(%dma_start3A_166 : memref<128xi32, #tpu.memory_space<vmem>>) semaphore(%arg21 : memref<!tpu.dma_semaphore, #tpu.memory_space<semaphore_mem>>) {add = true}
      %dma_wait3A_170 = arith.constant 0 : i32
      %dma_wait3A_171 = tpu.memref_slice %arg7[%add3A_109, %dma_wait3A_170] : memref<50x128xi32, #tpu.memory_space<vmem>> -> memref<1x128xi32, #tpu.memory_space<vmem>>
      %dma_wait3A_172 = tpu.memref_squeeze %dma_wait3A_171 : memref<1x128xi32, #tpu.memory_space<vmem>> -> memref<128xi32, #tpu.memory_space<vmem>>
      %dma_wait3A_173 = arith.constant 0 : i32
      %dma_wait3A_174 = arith.constant 0 : i32
      %dma_wait3A_175 = tpu.memref_slice %arg4[%dma_wait3A_173, %dma_wait3A_174] : memref<100000x128xf32, #tpu.memory_space<hbm>> -> memref<100000x128xf32, #tpu.memory_space<hbm>>
      tpu.wait_indirect_dma semaphore(%arg17 : memref<!tpu.dma_semaphore, #tpu.memory_space<semaphore_mem>>) src(%dma_wait3A_175 : memref<100000x128xf32, #tpu.memory_space<hbm>>) dst(%arg11 : memref<128x128xf32, #tpu.memory_space<vmem>>)
      %add3A_176 = arith.constant 2 : i32
      %add3A_177 = arith.addi %mul3A_79, %add3A_176 : i32
      %dma_start3A_178 = arith.constant 0 : i32
      %dma_start3A_179 = tpu.memref_slice %arg8[%add3A_177, %dma_start3A_178] : memref<50x128xi32, #tpu.memory_space<vmem>> -> memref<1x128xi32, #tpu.memory_space<vmem>>
      %dma_start3A_180 = tpu.memref_squeeze %dma_start3A_179 : memref<1x128xi32, #tpu.memory_space<vmem>> -> memref<128xi32, #tpu.memory_space<vmem>>
      %dma_start3A_181 = arith.constant 0 : i32
      %dma_start3A_182 = arith.constant 0 : i32
      %dma_start3A_183 = tpu.memref_slice %arg14[%dma_start3A_181, %dma_start3A_182] : memref<640x128xf32, #tpu.memory_space<vmem_shared>> -> memref<640x128xf32, #tpu.memory_space<vmem_shared>>
      tpu.enqueue_indirect_dma source(%dma_start3A_183 : memref<640x128xf32, #tpu.memory_space<vmem_shared>>) target(%arg11 : memref<128x128xf32, #tpu.memory_space<vmem>>) offsets(%dma_start3A_180 : memref<128xi32, #tpu.memory_space<vmem>>) semaphore(%arg22 : memref<!tpu.dma_semaphore, #tpu.memory_space<semaphore_mem>>) {add = true}
      %dma_wait3A_184 = arith.constant 0 : i32
      %dma_wait3A_185 = tpu.memref_slice %arg7[%add3A_122, %dma_wait3A_184] : memref<50x128xi32, #tpu.memory_space<vmem>> -> memref<1x128xi32, #tpu.memory_space<vmem>>
      %dma_wait3A_186 = tpu.memref_squeeze %dma_wait3A_185 : memref<1x128xi32, #tpu.memory_space<vmem>> -> memref<128xi32, #tpu.memory_space<vmem>>
      %dma_wait3A_187 = arith.constant 0 : i32
      %dma_wait3A_188 = arith.constant 0 : i32
      %dma_wait3A_189 = tpu.memref_slice %arg4[%dma_wait3A_187, %dma_wait3A_188] : memref<100000x128xf32, #tpu.memory_space<hbm>> -> memref<100000x128xf32, #tpu.memory_space<hbm>>
      tpu.wait_indirect_dma semaphore(%arg18 : memref<!tpu.dma_semaphore, #tpu.memory_space<semaphore_mem>>) src(%dma_wait3A_189 : memref<100000x128xf32, #tpu.memory_space<hbm>>) dst(%arg12 : memref<128x128xf32, #tpu.memory_space<vmem>>)
      %add3A_190 = arith.constant 3 : i32
      %add3A_191 = arith.addi %mul3A_79, %add3A_190 : i32
      %dma_start3A_192 = arith.constant 0 : i32
      %dma_start3A_193 = tpu.memref_slice %arg8[%add3A_191, %dma_start3A_192] : memref<50x128xi32, #tpu.memory_space<vmem>> -> memref<1x128xi32, #tpu.memory_space<vmem>>
      %dma_start3A_194 = tpu.memref_squeeze %dma_start3A_193 : memref<1x128xi32, #tpu.memory_space<vmem>> -> memref<128xi32, #tpu.memory_space<vmem>>
      %dma_start3A_195 = arith.constant 0 : i32
      %dma_start3A_196 = arith.constant 0 : i32
      %dma_start3A_197 = tpu.memref_slice %arg14[%dma_start3A_195, %dma_start3A_196] : memref<640x128xf32, #tpu.memory_space<vmem_shared>> -> memref<640x128xf32, #tpu.memory_space<vmem_shared>>
      tpu.enqueue_indirect_dma source(%dma_start3A_197 : memref<640x128xf32, #tpu.memory_space<vmem_shared>>) target(%arg12 : memref<128x128xf32, #tpu.memory_space<vmem>>) offsets(%dma_start3A_194 : memref<128xi32, #tpu.memory_space<vmem>>) semaphore(%arg23 : memref<!tpu.dma_semaphore, #tpu.memory_space<semaphore_mem>>) {add = true}
      %dma_wait3A_198 = arith.constant 0 : i32
      %dma_wait3A_199 = tpu.memref_slice %arg7[%add3A_135, %dma_wait3A_198] : memref<50x128xi32, #tpu.memory_space<vmem>> -> memref<1x128xi32, #tpu.memory_space<vmem>>
      %dma_wait3A_200 = tpu.memref_squeeze %dma_wait3A_199 : memref<1x128xi32, #tpu.memory_space<vmem>> -> memref<128xi32, #tpu.memory_space<vmem>>
      %dma_wait3A_201 = arith.constant 0 : i32
      %dma_wait3A_202 = arith.constant 0 : i32
      %dma_wait3A_203 = tpu.memref_slice %arg4[%dma_wait3A_201, %dma_wait3A_202] : memref<100000x128xf32, #tpu.memory_space<hbm>> -> memref<100000x128xf32, #tpu.memory_space<hbm>>
      tpu.wait_indirect_dma semaphore(%arg19 : memref<!tpu.dma_semaphore, #tpu.memory_space<semaphore_mem>>) src(%dma_wait3A_203 : memref<100000x128xf32, #tpu.memory_space<hbm>>) dst(%arg13 : memref<128x128xf32, #tpu.memory_space<vmem>>)
      %add3A_204 = arith.constant 4 : i32
      %add3A_205 = arith.addi %mul3A_79, %add3A_204 : i32
      %dma_start3A_206 = arith.constant 0 : i32
      %dma_start3A_207 = tpu.memref_slice %arg8[%add3A_205, %dma_start3A_206] : memref<50x128xi32, #tpu.memory_space<vmem>> -> memref<1x128xi32, #tpu.memory_space<vmem>>
      %dma_start3A_208 = tpu.memref_squeeze %dma_start3A_207 : memref<1x128xi32, #tpu.memory_space<vmem>> -> memref<128xi32, #tpu.memory_space<vmem>>
      %dma_start3A_209 = arith.constant 0 : i32
      %dma_start3A_210 = arith.constant 0 : i32
      %dma_start3A_211 = tpu.memref_slice %arg14[%dma_start3A_209, %dma_start3A_210] : memref<640x128xf32, #tpu.memory_space<vmem_shared>> -> memref<640x128xf32, #tpu.memory_space<vmem_shared>>
      tpu.enqueue_indirect_dma source(%dma_start3A_211 : memref<640x128xf32, #tpu.memory_space<vmem_shared>>) target(%arg13 : memref<128x128xf32, #tpu.memory_space<vmem>>) offsets(%dma_start3A_208 : memref<128xi32, #tpu.memory_space<vmem>>) semaphore(%arg24 : memref<!tpu.dma_semaphore, #tpu.memory_space<semaphore_mem>>) {add = true}
      %dma_wait3A_212 = arith.constant 0 : i32
      %dma_wait3A_213 = tpu.memref_slice %arg8[%add3A_149, %dma_wait3A_212] : memref<50x128xi32, #tpu.memory_space<vmem>> -> memref<1x128xi32, #tpu.memory_space<vmem>>
      %dma_wait3A_214 = tpu.memref_squeeze %dma_wait3A_213 : memref<1x128xi32, #tpu.memory_space<vmem>> -> memref<128xi32, #tpu.memory_space<vmem>>
      %dma_wait3A_215 = arith.constant 0 : i32
      %dma_wait3A_216 = arith.constant 0 : i32
      %dma_wait3A_217 = tpu.memref_slice %arg14[%dma_wait3A_215, %dma_wait3A_216] : memref<640x128xf32, #tpu.memory_space<vmem_shared>> -> memref<640x128xf32, #tpu.memory_space<vmem_shared>>
      tpu.wait_indirect_dma semaphore(%arg20 : memref<!tpu.dma_semaphore, #tpu.memory_space<semaphore_mem>>) src(%dma_wait3A_217 : memref<640x128xf32, #tpu.memory_space<vmem_shared>>) dst(%arg9 : memref<128x128xf32, #tpu.memory_space<vmem>>)
      %add3A_218 = arith.constant 0 : i32
      %add3A_219 = arith.addi %mul3A_79, %add3A_218 : i32
      %mul3A_220 = arith.constant 128 : i32
      %mul3A_221 = arith.muli %add3A_219, %mul3A_220 : i32
      %add3A_222 = arith.addi %mul3A_2, %mul3A_221 : i32
      %dma_start3A_223 = arith.constant 0 : i32
      %dma_start3A_224 = tpu.memref_slice %arg6[%add3A_222, %dma_start3A_223] : memref<204800x128xf32, #tpu.memory_space<hbm>> -> memref<128x128xf32, #tpu.memory_space<hbm>>
      %dma_start3A_225 = arith.constant 0 : i32
      %dma_start3A_226 = tpu.memref_slice %arg6[%add3A_222, %dma_start3A_225] : memref<204800x128xf32, #tpu.memory_space<hbm>> -> memref<128x128xf32, #tpu.memory_space<hbm>>
      tpu.enqueue_dma source(%arg9 : memref<128x128xf32, #tpu.memory_space<vmem>>) target(%dma_start3A_226 : memref<128x128xf32, #tpu.memory_space<hbm>>) target_semaphore(%arg25 : memref<!tpu.dma_semaphore, #tpu.memory_space<semaphore_mem>>)
      %dma_wait3A_227 = arith.constant 0 : i32
      %dma_wait3A_228 = tpu.memref_slice %arg8[%add3A_163, %dma_wait3A_227] : memref<50x128xi32, #tpu.memory_space<vmem>> -> memref<1x128xi32, #tpu.memory_space<vmem>>
      %dma_wait3A_229 = tpu.memref_squeeze %dma_wait3A_228 : memref<1x128xi32, #tpu.memory_space<vmem>> -> memref<128xi32, #tpu.memory_space<vmem>>
      %dma_wait3A_230 = arith.constant 0 : i32
      %dma_wait3A_231 = arith.constant 0 : i32
      %dma_wait3A_232 = tpu.memref_slice %arg14[%dma_wait3A_230, %dma_wait3A_231] : memref<640x128xf32, #tpu.memory_space<vmem_shared>> -> memref<640x128xf32, #tpu.memory_space<vmem_shared>>
      tpu.wait_indirect_dma semaphore(%arg21 : memref<!tpu.dma_semaphore, #tpu.memory_space<semaphore_mem>>) src(%dma_wait3A_232 : memref<640x128xf32, #tpu.memory_space<vmem_shared>>) dst(%arg10 : memref<128x128xf32, #tpu.memory_space<vmem>>)
      %add3A_233 = arith.constant 1 : i32
      %add3A_234 = arith.addi %mul3A_79, %add3A_233 : i32
      %mul3A_235 = arith.constant 128 : i32
      %mul3A_236 = arith.muli %add3A_234, %mul3A_235 : i32
      %add3A_237 = arith.addi %mul3A_2, %mul3A_236 : i32
      %dma_start3A_238 = arith.constant 0 : i32
      %dma_start3A_239 = tpu.memref_slice %arg6[%add3A_237, %dma_start3A_238] : memref<204800x128xf32, #tpu.memory_space<hbm>> -> memref<128x128xf32, #tpu.memory_space<hbm>>
      %dma_start3A_240 = arith.constant 0 : i32
      %dma_start3A_241 = tpu.memref_slice %arg6[%add3A_237, %dma_start3A_240] : memref<204800x128xf32, #tpu.memory_space<hbm>> -> memref<128x128xf32, #tpu.memory_space<hbm>>
      tpu.enqueue_dma source(%arg10 : memref<128x128xf32, #tpu.memory_space<vmem>>) target(%dma_start3A_241 : memref<128x128xf32, #tpu.memory_space<hbm>>) target_semaphore(%arg26 : memref<!tpu.dma_semaphore, #tpu.memory_space<semaphore_mem>>)
      %dma_wait3A_242 = arith.constant 0 : i32
      %dma_wait3A_243 = tpu.memref_slice %arg8[%add3A_177, %dma_wait3A_242] : memref<50x128xi32, #tpu.memory_space<vmem>> -> memref<1x128xi32, #tpu.memory_space<vmem>>
      %dma_wait3A_244 = tpu.memref_squeeze %dma_wait3A_243 : memref<1x128xi32, #tpu.memory_space<vmem>> -> memref<128xi32, #tpu.memory_space<vmem>>
      %dma_wait3A_245 = arith.constant 0 : i32
      %dma_wait3A_246 = arith.constant 0 : i32
      %dma_wait3A_247 = tpu.memref_slice %arg14[%dma_wait3A_245, %dma_wait3A_246] : memref<640x128xf32, #tpu.memory_space<vmem_shared>> -> memref<640x128xf32, #tpu.memory_space<vmem_shared>>
      tpu.wait_indirect_dma semaphore(%arg22 : memref<!tpu.dma_semaphore, #tpu.memory_space<semaphore_mem>>) src(%dma_wait3A_247 : memref<640x128xf32, #tpu.memory_space<vmem_shared>>) dst(%arg11 : memref<128x128xf32, #tpu.memory_space<vmem>>)
      %add3A_248 = arith.constant 2 : i32
      %add3A_249 = arith.addi %mul3A_79, %add3A_248 : i32
      %mul3A_250 = arith.constant 128 : i32
      %mul3A_251 = arith.muli %add3A_249, %mul3A_250 : i32
      %add3A_252 = arith.addi %mul3A_2, %mul3A_251 : i32
      %dma_start3A_253 = arith.constant 0 : i32
      %dma_start3A_254 = tpu.memref_slice %arg6[%add3A_252, %dma_start3A_253] : memref<204800x128xf32, #tpu.memory_space<hbm>> -> memref<128x128xf32, #tpu.memory_space<hbm>>
      %dma_start3A_255 = arith.constant 0 : i32
      %dma_start3A_256 = tpu.memref_slice %arg6[%add3A_252, %dma_start3A_255] : memref<204800x128xf32, #tpu.memory_space<hbm>> -> memref<128x128xf32, #tpu.memory_space<hbm>>
      tpu.enqueue_dma source(%arg11 : memref<128x128xf32, #tpu.memory_space<vmem>>) target(%dma_start3A_256 : memref<128x128xf32, #tpu.memory_space<hbm>>) target_semaphore(%arg27 : memref<!tpu.dma_semaphore, #tpu.memory_space<semaphore_mem>>)
      %dma_wait3A_257 = arith.constant 0 : i32
      %dma_wait3A_258 = tpu.memref_slice %arg8[%add3A_191, %dma_wait3A_257] : memref<50x128xi32, #tpu.memory_space<vmem>> -> memref<1x128xi32, #tpu.memory_space<vmem>>
      %dma_wait3A_259 = tpu.memref_squeeze %dma_wait3A_258 : memref<1x128xi32, #tpu.memory_space<vmem>> -> memref<128xi32, #tpu.memory_space<vmem>>
      %dma_wait3A_260 = arith.constant 0 : i32
      %dma_wait3A_261 = arith.constant 0 : i32
      %dma_wait3A_262 = tpu.memref_slice %arg14[%dma_wait3A_260, %dma_wait3A_261] : memref<640x128xf32, #tpu.memory_space<vmem_shared>> -> memref<640x128xf32, #tpu.memory_space<vmem_shared>>
      tpu.wait_indirect_dma semaphore(%arg23 : memref<!tpu.dma_semaphore, #tpu.memory_space<semaphore_mem>>) src(%dma_wait3A_262 : memref<640x128xf32, #tpu.memory_space<vmem_shared>>) dst(%arg12 : memref<128x128xf32, #tpu.memory_space<vmem>>)
      %add3A_263 = arith.constant 3 : i32
      %add3A_264 = arith.addi %mul3A_79, %add3A_263 : i32
      %mul3A_265 = arith.constant 128 : i32
      %mul3A_266 = arith.muli %add3A_264, %mul3A_265 : i32
      %add3A_267 = arith.addi %mul3A_2, %mul3A_266 : i32
      %dma_start3A_268 = arith.constant 0 : i32
      %dma_start3A_269 = tpu.memref_slice %arg6[%add3A_267, %dma_start3A_268] : memref<204800x128xf32, #tpu.memory_space<hbm>> -> memref<128x128xf32, #tpu.memory_space<hbm>>
      %dma_start3A_270 = arith.constant 0 : i32
      %dma_start3A_271 = tpu.memref_slice %arg6[%add3A_267, %dma_start3A_270] : memref<204800x128xf32, #tpu.memory_space<hbm>> -> memref<128x128xf32, #tpu.memory_space<hbm>>
      tpu.enqueue_dma source(%arg12 : memref<128x128xf32, #tpu.memory_space<vmem>>) target(%dma_start3A_271 : memref<128x128xf32, #tpu.memory_space<hbm>>) target_semaphore(%arg28 : memref<!tpu.dma_semaphore, #tpu.memory_space<semaphore_mem>>)
      %dma_wait3A_272 = arith.constant 0 : i32
      %dma_wait3A_273 = tpu.memref_slice %arg8[%add3A_205, %dma_wait3A_272] : memref<50x128xi32, #tpu.memory_space<vmem>> -> memref<1x128xi32, #tpu.memory_space<vmem>>
      %dma_wait3A_274 = tpu.memref_squeeze %dma_wait3A_273 : memref<1x128xi32, #tpu.memory_space<vmem>> -> memref<128xi32, #tpu.memory_space<vmem>>
      %dma_wait3A_275 = arith.constant 0 : i32
      %dma_wait3A_276 = arith.constant 0 : i32
      %dma_wait3A_277 = tpu.memref_slice %arg14[%dma_wait3A_275, %dma_wait3A_276] : memref<640x128xf32, #tpu.memory_space<vmem_shared>> -> memref<640x128xf32, #tpu.memory_space<vmem_shared>>
      tpu.wait_indirect_dma semaphore(%arg24 : memref<!tpu.dma_semaphore, #tpu.memory_space<semaphore_mem>>) src(%dma_wait3A_277 : memref<640x128xf32, #tpu.memory_space<vmem_shared>>) dst(%arg13 : memref<128x128xf32, #tpu.memory_space<vmem>>)
      %add3A_278 = arith.constant 4 : i32
      %add3A_279 = arith.addi %mul3A_79, %add3A_278 : i32
      %mul3A_280 = arith.constant 128 : i32
      %mul3A_281 = arith.muli %add3A_279, %mul3A_280 : i32
      %add3A_282 = arith.addi %mul3A_2, %mul3A_281 : i32
      %dma_start3A_283 = arith.constant 0 : i32
      %dma_start3A_284 = tpu.memref_slice %arg6[%add3A_282, %dma_start3A_283] : memref<204800x128xf32, #tpu.memory_space<hbm>> -> memref<128x128xf32, #tpu.memory_space<hbm>>
      %dma_start3A_285 = arith.constant 0 : i32
      %dma_start3A_286 = tpu.memref_slice %arg6[%add3A_282, %dma_start3A_285] : memref<204800x128xf32, #tpu.memory_space<hbm>> -> memref<128x128xf32, #tpu.memory_space<hbm>>
      tpu.enqueue_dma source(%arg13 : memref<128x128xf32, #tpu.memory_space<vmem>>) target(%dma_start3A_286 : memref<128x128xf32, #tpu.memory_space<hbm>>) target_semaphore(%arg29 : memref<!tpu.dma_semaphore, #tpu.memory_space<semaphore_mem>>)
    }
    %scan3A_56 = arith.constant 10 : i32
    %dma_wait3A_57 = arith.constant 0 : i32
    %dma_wait3A_58 = tpu.memref_slice %arg6[%mul3A_2, %dma_wait3A_57] : memref<204800x128xf32, #tpu.memory_space<hbm>> -> memref<128x128xf32, #tpu.memory_space<hbm>>
    %dma_wait3A_59 = arith.constant 0 : i32
    %dma_wait3A_60 = tpu.memref_slice %arg6[%mul3A_2, %dma_wait3A_59] : memref<204800x128xf32, #tpu.memory_space<hbm>> -> memref<128x128xf32, #tpu.memory_space<hbm>>
    tpu.wait_dma2 semaphore(%arg25 : memref<!tpu.dma_semaphore, #tpu.memory_space<semaphore_mem>>) src(%arg9 : memref<128x128xf32, #tpu.memory_space<vmem>>) dst(%dma_wait3A_60 : memref<128x128xf32, #tpu.memory_space<hbm>>)
    %dma_wait3A_61 = arith.constant 0 : i32
    %dma_wait3A_62 = tpu.memref_slice %arg6[%mul3A_2, %dma_wait3A_61] : memref<204800x128xf32, #tpu.memory_space<hbm>> -> memref<128x128xf32, #tpu.memory_space<hbm>>
    %dma_wait3A_63 = arith.constant 0 : i32
    %dma_wait3A_64 = tpu.memref_slice %arg6[%mul3A_2, %dma_wait3A_63] : memref<204800x128xf32, #tpu.memory_space<hbm>> -> memref<128x128xf32, #tpu.memory_space<hbm>>
    tpu.wait_dma2 semaphore(%arg26 : memref<!tpu.dma_semaphore, #tpu.memory_space<semaphore_mem>>) src(%arg10 : memref<128x128xf32, #tpu.memory_space<vmem>>) dst(%dma_wait3A_64 : memref<128x128xf32, #tpu.memory_space<hbm>>)
    %dma_wait3A_65 = arith.constant 0 : i32
    %dma_wait3A_66 = tpu.memref_slice %arg6[%mul3A_2, %dma_wait3A_65] : memref<204800x128xf32, #tpu.memory_space<hbm>> -> memref<128x128xf32, #tpu.memory_space<hbm>>
    %dma_wait3A_67 = arith.constant 0 : i32
    %dma_wait3A_68 = tpu.memref_slice %arg6[%mul3A_2, %dma_wait3A_67] : memref<204800x128xf32, #tpu.memory_space<hbm>> -> memref<128x128xf32, #tpu.memory_space<hbm>>
    tpu.wait_dma2 semaphore(%arg27 : memref<!tpu.dma_semaphore, #tpu.memory_space<semaphore_mem>>) src(%arg11 : memref<128x128xf32, #tpu.memory_space<vmem>>) dst(%dma_wait3A_68 : memref<128x128xf32, #tpu.memory_space<hbm>>)
    %dma_wait3A_69 = arith.constant 0 : i32
    %dma_wait3A_70 = tpu.memref_slice %arg6[%mul3A_2, %dma_wait3A_69] : memref<204800x128xf32, #tpu.memory_space<hbm>> -> memref<128x128xf32, #tpu.memory_space<hbm>>
    %dma_wait3A_71 = arith.constant 0 : i32
    %dma_wait3A_72 = tpu.memref_slice %arg6[%mul3A_2, %dma_wait3A_71] : memref<204800x128xf32, #tpu.memory_space<hbm>> -> memref<128x128xf32, #tpu.memory_space<hbm>>
    tpu.wait_dma2 semaphore(%arg28 : memref<!tpu.dma_semaphore, #tpu.memory_space<semaphore_mem>>) src(%arg12 : memref<128x128xf32, #tpu.memory_space<vmem>>) dst(%dma_wait3A_72 : memref<128x128xf32, #tpu.memory_space<hbm>>)
    %dma_wait3A_73 = arith.constant 0 : i32
    %dma_wait3A_74 = tpu.memref_slice %arg6[%mul3A_2, %dma_wait3A_73] : memref<204800x128xf32, #tpu.memory_space<hbm>> -> memref<128x128xf32, #tpu.memory_space<hbm>>
    %dma_wait3A_75 = arith.constant 0 : i32
    %dma_wait3A_76 = tpu.memref_slice %arg6[%mul3A_2, %dma_wait3A_75] : memref<204800x128xf32, #tpu.memory_space<hbm>> -> memref<128x128xf32, #tpu.memory_space<hbm>>
    tpu.wait_dma2 semaphore(%arg29 : memref<!tpu.dma_semaphore, #tpu.memory_space<semaphore_mem>>) src(%arg13 : memref<128x128xf32, #tpu.memory_space<vmem>>) dst(%dma_wait3A_76 : memref<128x128xf32, #tpu.memory_space<hbm>>)
    return
  }
}

module attributes {stable_mosaic.version = 14 : i64} {
  func.func @_combo_tc_body(%arg0: memref<3x128xf32, #tpu.memory_space<vmem>>, %arg1: memref<640x128xf32, #tpu.memory_space<vmem>>) attributes {dimension_semantics = [], scalar_prefetch = 0 : i64, scratch_operands = 0 : i64, tpu.core_type = #tpu.core_type<tc>} {
    %iota3A = tpu.iota {dimensions = array<i32: 0>} : vector<640x128xi32>
    %iota3A_0 = tpu.iota {dimensions = array<i32: 1>} : vector<640x128xi32>
    %jit3A = arith.constant 3 : i32
    %div3A = vector.broadcast %jit3A : i32 to vector<640x128xi32>
    %div3A_1 = arith.divsi %iota3A, %div3A : vector<640x128xi32>
    %sign3A = arith.constant 0 : i32
    %sign3A_2 = vector.broadcast %sign3A : i32 to vector<640x128xi32>
    %sign3A_3 = arith.cmpi sgt, %iota3A, %sign3A_2 : vector<640x128xi32>
    %sign3A_4 = arith.extui %sign3A_3 : vector<640x128xi1> to vector<640x128xi32>
    %sign3A_5 = arith.constant 0 : i32
    %sign3A_6 = vector.broadcast %sign3A_5 : i32 to vector<640x128xi32>
    %sign3A_7 = arith.cmpi slt, %iota3A, %sign3A_6 : vector<640x128xi32>
    %sign3A_8 = arith.extui %sign3A_7 : vector<640x128xi1> to vector<640x128xi32>
    %sign3A_9 = arith.subi %sign3A_4, %sign3A_8 : vector<640x128xi32>
    %sign3A_10 = arith.constant 0 : i32
    %sign3A_11 = arith.cmpi sgt, %jit3A, %sign3A_10 : i32
    %sign3A_12 = arith.extui %sign3A_11 : i1 to i32
    %sign3A_13 = arith.constant 0 : i32
    %sign3A_14 = arith.cmpi slt, %jit3A, %sign3A_13 : i32
    %sign3A_15 = arith.extui %sign3A_14 : i1 to i32
    %sign3A_16 = arith.subi %sign3A_12, %sign3A_15 : i32
    %ne3A = vector.broadcast %sign3A_16 : i32 to vector<640x128xi32>
    %ne3A_17 = arith.cmpi ne, %sign3A_9, %ne3A : vector<640x128xi32>
    %rem3A = vector.broadcast %jit3A : i32 to vector<640x128xi32>
    %rem3A_18 = arith.remsi %iota3A, %rem3A : vector<640x128xi32>
    %ne3A_19 = arith.constant 0 : i32
    %ne3A_20 = vector.broadcast %ne3A_19 : i32 to vector<640x128xi32>
    %ne3A_21 = arith.cmpi ne, %rem3A_18, %ne3A_20 : vector<640x128xi32>
    %and3A = arith.andi %ne3A_17, %ne3A_21 : vector<640x128xi1>
    %sub3A = arith.constant 1 : i32
    %sub3A_22 = vector.broadcast %sub3A : i32 to vector<640x128xi32>
    %sub3A_23 = arith.subi %div3A_1, %sub3A_22 : vector<640x128xi32>
    %select_n3A = arith.select %and3A, %sub3A_23, %div3A_1 : vector<640x128xi1>, vector<640x128xi32>
    %mul3A = arith.constant 3 : i32
    %mul3A_24 = vector.broadcast %mul3A : i32 to vector<640x128xi32>
    %mul3A_25 = arith.muli %mul3A_24, %select_n3A : vector<640x128xi32>
    %sub3A_26 = arith.subi %iota3A, %mul3A_25 : vector<640x128xi32>
    %jit3A_27 = arith.constant 2 : i32
    %div3A_28 = vector.broadcast %jit3A_27 : i32 to vector<640x128xi32>
    %div3A_29 = arith.divsi %iota3A_0, %div3A_28 : vector<640x128xi32>
    %sign3A_30 = arith.constant 0 : i32
    %sign3A_31 = vector.broadcast %sign3A_30 : i32 to vector<640x128xi32>
    %sign3A_32 = arith.cmpi sgt, %iota3A_0, %sign3A_31 : vector<640x128xi32>
    %sign3A_33 = arith.extui %sign3A_32 : vector<640x128xi1> to vector<640x128xi32>
    %sign3A_34 = arith.constant 0 : i32
    %sign3A_35 = vector.broadcast %sign3A_34 : i32 to vector<640x128xi32>
    %sign3A_36 = arith.cmpi slt, %iota3A_0, %sign3A_35 : vector<640x128xi32>
    %sign3A_37 = arith.extui %sign3A_36 : vector<640x128xi1> to vector<640x128xi32>
    %sign3A_38 = arith.subi %sign3A_33, %sign3A_37 : vector<640x128xi32>
    %sign3A_39 = arith.constant 0 : i32
    %sign3A_40 = arith.cmpi sgt, %jit3A_27, %sign3A_39 : i32
    %sign3A_41 = arith.extui %sign3A_40 : i1 to i32
    %sign3A_42 = arith.constant 0 : i32
    %sign3A_43 = arith.cmpi slt, %jit3A_27, %sign3A_42 : i32
    %sign3A_44 = arith.extui %sign3A_43 : i1 to i32
    %sign3A_45 = arith.subi %sign3A_41, %sign3A_44 : i32
    %ne3A_46 = vector.broadcast %sign3A_45 : i32 to vector<640x128xi32>
    %ne3A_47 = arith.cmpi ne, %sign3A_38, %ne3A_46 : vector<640x128xi32>
    %rem3A_48 = vector.broadcast %jit3A_27 : i32 to vector<640x128xi32>
    %rem3A_49 = arith.remsi %iota3A_0, %rem3A_48 : vector<640x128xi32>
    %ne3A_50 = arith.constant 0 : i32
    %ne3A_51 = vector.broadcast %ne3A_50 : i32 to vector<640x128xi32>
    %ne3A_52 = arith.cmpi ne, %rem3A_49, %ne3A_51 : vector<640x128xi32>
    %and3A_53 = arith.andi %ne3A_47, %ne3A_52 : vector<640x128xi1>
    %sub3A_54 = arith.constant 1 : i32
    %sub3A_55 = vector.broadcast %sub3A_54 : i32 to vector<640x128xi32>
    %sub3A_56 = arith.subi %div3A_29, %sub3A_55 : vector<640x128xi32>
    %select_n3A_57 = arith.select %and3A_53, %sub3A_56, %div3A_29 : vector<640x128xi1>, vector<640x128xi32>
    %convert_element_type3A = arith.sitofp %select_n3A_57 : vector<640x128xi32> to vector<640x128xf32>
    %mul3A_58 = arith.constant -0.14391157 : f32
    %mul3A_59 = vector.broadcast %mul3A_58 : f32 to vector<640x128xf32>
    %mul3A_60 = arith.mulf %convert_element_type3A, %mul3A_59 : vector<640x128xf32>
    %exp3A = math.exp %mul3A_60 : vector<640x128xf32>
    %convert_element_type3A_61 = arith.sitofp %select_n3A : vector<640x128xi32> to vector<640x128xf32>
    %mul3A_62 = arith.mulf %convert_element_type3A_61, %exp3A : vector<640x128xf32>
    %jit3A_63 = arith.constant 2 : i32
    %eq3A = arith.constant 0 : i32
    %eq3A_64 = arith.cmpi eq, %jit3A_63, %eq3A : i32
    %jit3A_65 = arith.constant 1 : i32
    %select_n3A_66 = arith.select %eq3A_64, %jit3A_65, %jit3A_63 : i32
    %rem3A_67 = vector.broadcast %select_n3A_66 : i32 to vector<640x128xi32>
    %rem3A_68 = arith.remsi %iota3A_0, %rem3A_67 : vector<640x128xi32>
    %ne3A_69 = arith.constant 0 : i32
    %ne3A_70 = vector.broadcast %ne3A_69 : i32 to vector<640x128xi32>
    %ne3A_71 = arith.cmpi ne, %rem3A_68, %ne3A_70 : vector<640x128xi32>
    %lt3A = arith.constant 0 : i32
    %lt3A_72 = vector.broadcast %lt3A : i32 to vector<640x128xi32>
    %lt3A_73 = arith.cmpi slt, %rem3A_68, %lt3A_72 : vector<640x128xi32>
    %lt3A_74 = arith.constant 0 : i32
    %lt3A_75 = arith.cmpi slt, %select_n3A_66, %lt3A_74 : i32
    %ne3A_76 = vector.broadcast %lt3A_75 : i1 to vector<640x128xi1>
    %ne3A_77 = vector.broadcast %ne3A_76 : vector<640x128xi1> to vector<640x128xi1>
    %ne3A_78 = arith.xori %lt3A_73, %ne3A_77 : vector<640x128xi1>
    %and3A_79 = arith.andi %ne3A_78, %ne3A_71 : vector<640x128xi1>
    %add3A = vector.broadcast %select_n3A_66 : i32 to vector<640x128xi32>
    %add3A_80 = arith.addi %rem3A_68, %add3A : vector<640x128xi32>
    %select_n3A_81 = arith.select %and3A_79, %add3A_80, %rem3A_68 : vector<640x128xi1>, vector<640x128xi32>
    %eq3A_82 = arith.constant 0 : i32
    %eq3A_83 = vector.broadcast %eq3A_82 : i32 to vector<640x128xi32>
    %eq3A_84 = arith.cmpi eq, %select_n3A_81, %eq3A_83 : vector<640x128xi32>
    %sin3A = math.sin %mul3A_62 : vector<640x128xf32>
    %cos3A = math.cos %mul3A_62 : vector<640x128xf32>
    %select_n3A_85 = arith.select %eq3A_84, %sin3A, %cos3A : vector<640x128xi1>, vector<640x128xf32>
    %get3A = arith.constant 0 : index
    %get3A_86 = arith.constant 0 : index
    %get3A_87 = vector.load %arg0[%get3A, %get3A_86] : memref<3x128xf32, #tpu.memory_space<vmem>>, vector<3x128xf32>
    %slice3A = vector.extract_strided_slice %get3A_87 {offsets = [0, 0], sizes = [1, 128], strides = [1, 1]} : vector<3x128xf32> to vector<1x128xf32>
    %broadcast_in_dim3A = vector.shape_cast %slice3A : vector<1x128xf32> to vector<1x128xf32>
    %broadcast_in_dim3A_88 = vector.broadcast %broadcast_in_dim3A : vector<1x128xf32> to vector<640x128xf32>
    %slice3A_89 = vector.extract_strided_slice %get3A_87 {offsets = [1, 0], sizes = [1, 128], strides = [1, 1]} : vector<3x128xf32> to vector<1x128xf32>
    %broadcast_in_dim3A_90 = vector.shape_cast %slice3A_89 : vector<1x128xf32> to vector<1x128xf32>
    %broadcast_in_dim3A_91 = vector.broadcast %broadcast_in_dim3A_90 : vector<1x128xf32> to vector<640x128xf32>
    %slice3A_92 = vector.extract_strided_slice %get3A_87 {offsets = [2, 0], sizes = [1, 128], strides = [1, 1]} : vector<3x128xf32> to vector<1x128xf32>
    %broadcast_in_dim3A_93 = vector.shape_cast %slice3A_92 : vector<1x128xf32> to vector<1x128xf32>
    %broadcast_in_dim3A_94 = vector.broadcast %broadcast_in_dim3A_93 : vector<1x128xf32> to vector<640x128xf32>
    %eq3A_95 = arith.constant 0 : i32
    %eq3A_96 = vector.broadcast %eq3A_95 : i32 to vector<640x128xi32>
    %eq3A_97 = arith.cmpi eq, %sub3A_26, %eq3A_96 : vector<640x128xi32>
    %eq3A_98 = arith.constant 1 : i32
    %eq3A_99 = vector.broadcast %eq3A_98 : i32 to vector<640x128xi32>
    %eq3A_100 = arith.cmpi eq, %sub3A_26, %eq3A_99 : vector<640x128xi32>
    %select_n3A_101 = arith.select %eq3A_100, %broadcast_in_dim3A_91, %broadcast_in_dim3A_94 : vector<640x128xi1>, vector<640x128xf32>
    %select_n3A_102 = arith.select %eq3A_97, %broadcast_in_dim3A_88, %select_n3A_101 : vector<640x128xi1>, vector<640x128xf32>
    %add3A_103 = arith.addf %select_n3A_85, %select_n3A_102 : vector<640x128xf32>
    %swap3A = arith.constant 0 : index
    %swap3A_104 = arith.constant 0 : index
    %swap3A_105 = vector.load %arg1[%swap3A, %swap3A_104] : memref<640x128xf32, #tpu.memory_space<vmem>>, vector<640x128xf32>
    tpu.vector_store %arg1[%swap3A, %swap3A_104], %add3A_103 {strides = array<i32>} : memref<640x128xf32, #tpu.memory_space<vmem>>, vector<640x128xf32>,
    return
  }
}

</mosaic_0001>

<sc_bundles>
// kernel: kernel.4.cloned.1.call-start
scs
__scs_entry_jumppad:
0x0: {  	(pc) =	sbr.rel $0x88, $3  }
0x1: {  	(tag) =	ssettag $0x0;
	lr =	simm.s32 $0x1  }
0x2: {  	[smem:$0x3F9D] =	sst lr;
	_ =	strace $0xD0000000  }
0x3: {  	_ = 	snop  }
0x4: {  	_ = 	snop  }
0x5: {  	_ = 	snop  }
0x6: {  	_ = 	snop  }
0x7: {  	_ = 	snop  }
__scs_overlays_trampoline_lowered:
0x8: {  	[smem:$0x3FAC] =	sst s0  }
0x9: {  	[smem:$0x3FAD] =	sst s1  }
0xa: {  	[smem:$0x3FAE] =	sst s2  }
0xb: {  	[smem:$0x3FAF] =	sst s3  }
0xc: {  	[smem:$0x3FB0] =	sst s4  }
0xd: {  	[smem:$0x3FB1] =	sst s5  }
0xe: {  	[smem:$0x3FB2] =	sst s6  }
0xf: {  	[smem:$0x3FB3] =	sst s7  }
0x10: {  	[smem:$0x3FB4] =	sst s8  }
0x11: {  	[smem:$0x3FB5] =	sst s9;
	s0 =	simm.s32 @!p0 $0x0  }
0x12: {  	s1 =	sld [smem:$0x3F9B];
	s0 =	simm.s32 @p0 $0x1  }
0x13: {  	[smem:$0x3FB6] =	sst s0;
	s0 =	simm.s32 @!p1 $0x0  }
0x14: {  	s2 =	sld [smem:$0x3F9A];
	s0 =	simm.s32 @p1 $0x1  }
0x15: {  	[smem:$0x3FB7] =	sst s0;
	s0 =	simm.s32 @!p2 $0x0  }
0x16: {  	s3 =	sld [smem:$0x3FDB];
	s0 =	simm.s32 @p2 $0x1  }
0x17: {  	s4 =	simm.s32 $0x1BF5;
	[smem:$0x3FB9] =	sst s0  }
0x18: {  	s0 =	sld [smem:$0x3F9C];
	_ =	swait.ge [sflag:s4], $0x0  }
0x19: {  	s7 =	sld [smem:$0x3F9D]  }
0x1a: {  	s8 =	sadd.s32 $0xFFFFE003, lr  }
0x1b: {  	s9 =	sadd.s32 $0xFFFFFEF7, lr;
	s5 =	simm.s32 $0xFFFFFFFF;
	p2 =	slt.u32 s8, $0xFFFFF086  }
0x1c: {  	p1 =	slt.u32 s9, $0xF7A;
	s5 =	simm.s32 @!p2 $0x0  }
0x1d: {  	s5 =	simm.s32 @p1 $0x1;
	p0 =	seq.s32 s7, s2  }
0x1e: {  	s7 =	smul.u32 @!p0 $0xF7A, s2;
	p2 =	seq.s32 @!p0 s5, $0x0  }
0x1f: {  	s9 =	smul.u32 $0xF7A, s1;
	s8 =	simm.s32 @!p0 $0x1BF5;
	p2 =	por !p2, p0  }
0x20: {  	[sflag:s8] =	ssyncset.s32 @!p0 $0xFFFFF086;
	s6 =	sadd.s32 @!p0 s3, s7;
	s7 =	simm.s32 @!p0 $0x108  }
0x21: {  	s3 =	sadd.s32 s3, s9;
	s6 =	sadd.s32 @!p0 $0x88, s6;
	s7 =	simm.s32 @p2 $0x1082  }
0x22: {  	[simem:s7], [sflag:s8] =	dma.local @!p0 [hbm:s6], $0xF7A  }
0x23: {  	s9 =	sor.u32 $0xD0000000, s2;
	s6 =	simm.s32 $0x108;
	_ =	swait.ge @!p0 [sflag:s8], $0x0  }
0x24: {  	s3 =	sadd.s32 $0x88, s3;
	s6 =	simm.s32 @!p1 $0x1082;
	[sflag:s4] =	ssyncset.s32 $0xFFFFF086  }
0x25: {  	[simem:s6], [sflag:s4] =	dma.local [hbm:s3], $0xF7A  }
0x26: {  	[smem:$0x3F9D] =	sst s1;
	(tag) =	ssettag s2;
	_ =	strace s9  }
0x27: {  	s1 =	sld [smem:$0x3FAD]  }
0x28: {  	s2 =	sld [smem:$0x3FAE]  }
0x29: {  	s4 =	sld [smem:$0x3FB0]  }
0x2a: {  	p0 =	seq.s32 s5, $0x0;
	s5 =	sld [smem:$0x3FB1]  }
0x2b: {  	s6 =	sld [smem:$0x3FB2]  }
0x2c: {  	s7 =	sld [smem:$0x3FB3]  }
0x2d: {  	s3 =	simm.s32 $0x108;
	s8 =	sld [smem:$0x3FB4]  }
0x2e: {  	s3 =	simm.s32 @!p0 $0x1082;
	s9 =	sld [smem:$0x3FB5]  }
0x2f: {  	lr =	sadd.s32 s0, s3;
	s0 =	sld [smem:$0x3FAC]  }
0x30: {  	s3 =	sld [smem:$0x3FAF]  }
0x31: {  	[smem:$0x3FB8] =	sst s10  }
0x32: {  	s10 =	sld [smem:$0x3FB6];
	_ =	sdelay $0x3  }
0x33: {  	p0 =	seq.s32 s10, $0x1;
	s10 =	sld [smem:$0x3FB8];
	_ =	sdelay $0x3  }
0x34: {  	[smem:$0x3FB8] =	sst s10  }
0x35: {  	s10 =	sld [smem:$0x3FB7];
	_ =	sdelay $0x3  }
0x36: {  	p1 =	seq.s32 s10, $0x1;
	s10 =	sld [smem:$0x3FB8];
	_ =	sdelay $0x3  }
0x37: {  	[smem:$0x3FB8] =	sst s10  }
0x38: {  	s10 =	sld [smem:$0x3FB9]  }
0x39: {  	_ = 	snop;
	(pc) =	sbr.ind lr, $3  }
0x3a: {  	_ = 	snop  }
0x3b: {  	_ = 	snop  }
0x3c: {  	p2 =	seq.s32 s10, $0x1;
	s10 =	sld [smem:$0x3FB8]  }
0x3d: {  	_ =	shalt  }
0x3e: {  	_ =	shalt  }
0x3f: {  	_ =	shalt  }
0x40: {  	_ =	shalt  }
0x41: {  	_ =	shalt  }
0x42: {  	_ =	shalt  }
0x43: {  	_ =	shalt  }
0x44: {  	_ =	shalt  }
0x45: {  	_ =	shalt  }
0x46: {  	_ =	shalt  }
0x47: {  	_ =	shalt  }
0x48: {  	_ =	shalt  }
0x49: {  	_ =	shalt  }
0x4a: {  	_ =	shalt  }
0x4b: {  	_ =	shalt  }
0x4c: {  	_ =	shalt  }
0x4d: {  	_ =	shalt  }
0x4e: {  	_ =	shalt  }
0x4f: {  	_ =	shalt  }
0x50: {  	_ =	shalt  }
0x51: {  	_ =	shalt  }
0x52: {  	_ =	shalt  }
0x53: {  	_ =	shalt  }
0x54: {  	_ =	shalt  }
0x55: {  	_ =	shalt  }
0x56: {  	_ =	shalt  }
0x57: {  	_ =	shalt  }
0x58: {  	_ =	shalt  }
0x59: {  	_ =	shalt  }
0x5a: {  	_ =	shalt  }
0x5b: {  	_ =	shalt  }
0x5c: {  	_ =	shalt  }
0x5d: {  	_ =	shalt  }
0x5e: {  	_ =	shalt  }
0x5f: {  	_ =	shalt  }
0x60: {  	_ =	shalt  }
0x61: {  	_ =	shalt  }
0x62: {  	_ =	shalt  }
0x63: {  	_ =	shalt  }
0x64: {  	_ =	shalt  }
0x65: {  	_ =	shalt  }
0x66: {  	_ =	shalt  }
0x67: {  	_ =	shalt  }
0x68: {  	_ =	shalt  }
0x69: {  	_ =	shalt  }
0x6a: {  	_ =	shalt  }
0x6b: {  	_ =	shalt  }
0x6c: {  	_ =	shalt  }
0x6d: {  	_ =	shalt  }
0x6e: {  	_ =	shalt  }
0x6f: {  	_ =	shalt  }
0x70: {  	_ =	shalt  }
0x71: {  	_ =	shalt  }
0x72: {  	_ =	shalt  }
0x73: {  	_ =	shalt  }
0x74: {  	_ =	shalt  }
0x75: {  	_ =	shalt  }
0x76: {  	_ =	shalt  }
0x77: {  	_ =	shalt  }
0x78: {  	_ =	shalt  }
0x79: {  	_ =	shalt  }
0x7a: {  	_ =	shalt  }
0x7b: {  	_ =	shalt  }
0x7c: {  	_ =	shalt  }
0x7d: {  	_ =	shalt  }
0x7e: {  	_ =	shalt  }
0x7f: {  	_ =	shalt  }
0x80: {  	_ =	shalt  }
0x81: {  	_ =	shalt  }
0x82: {  	_ =	shalt  }
0x83: {  	_ =	shalt  }
0x84: {  	_ =	shalt  }
0x85: {  	_ =	shalt  }
0x86: {  	_ =	shalt  }
0x87: {  	_ =	shalt  }
.Lfunc_end0:
.L_simem_size_0:
called_computation_lowered:
.L_overlay_start_0:
0x88: {  	s2 =	sld [smem:$0x3FD9]  }
0x89: {  	s3 =	sld [smem:$0x3FFE];
	_ =	sdelay $0x1  }
0x8a: {  	s1 =	srdreg.scid  }
0x8b: {  	s0 =	sand.u32 $0x1, s1  }
0x8c: {  	s17 =	sshll.u32 s0, $0xA;
	s2 =	sadd.s32 s3, s2  }
0x8d: {  	s2 =	sadd.s32 s2, s17  }
0x8e: {  	[smem:$0x3FC4] =	sst s2  }
0x8f: {  	_ = 	snop  }
0x90: {  	s2 =	sld [smem:$0x3FC7]  }
0x91: {  	s18 =	sld [smem:$0x3FD0];
	(tm) =	ssettm $0x1  }
0x92: {  	s4 =	sld [smem:$0x3FFB];
	_ =	sdelay $0x3  }
0x93: {  	_ =	strace s4  }
0x94: {  	s4 =	sld [smem:$0x3FFC];
	_ =	sdelay $0x3  }
0x95: {  	_ =	strace s4  }
0x96: {  	s4 =	sld [smem:$0x3FFD];
	_ =	sdelay $0x3  }
0x97: {  	_ =	strace s4  }
0x98: {  	_ =	strace $0x8FFFFFFF  }
0x99: {  	s19 =	sld [smem:$0x3FDB];
	_ =	sdelay $0x1  }
0x9a: {  	s5 =	simm.s32 $_scs_section_size  }
0x9b: {  	s6 =	simm.s32 $_size__tile_overlayer_lowered;
	s7 =	simm.s32 $_tile_overlayer_lowered  }
0x9c: {  	s22 =	simm.s32 $0x1BFF;
	s21 =	sshll.u32 s7, $0x1;
	s4 =	sadd.s32 s5, s19  }
0x9d: {  	s8 =	simm.s32 $0x0;
	s20 =	sshll.u32 s6, $0x1;
	s6 =	sadd.s32 s21, s4  }
0x9e: {  	[timem:s8], [sflag:s22] =	dma.local [hbm:s6], s20  }
0x9f: {  	_ =	swait.ge [sflag:s22], s20  }
0xa0: {  	s5 =	ssub.s32 $0x0, s20;
	[sflag:s22] =	ssyncset.done $0x0  }
0xa1: {  	[sflag:s22] =	ssyncadd.s32 s5;
	_ =	sdelay $0x1  }
0xa2: {  	s23 =	simm.s32 $0x1B8B  }
0xa3: {  	_ =	swait.ge [sflag:s23], $0x1  }
0xa4: {  	[sflag:s23] =	ssyncset.done $0x0  }
0xa5: {  	s25 =	simm.s32 $0x1B8E;
	s24 =	sld [smem:$0x3FFE];
	[sflag:s23] =	ssyncadd.s32 $0xFFFFFFFF  }
0xa6: {  	s26 =	simm.s32 $execute0_lowered;
	[smem:$0x3FD2] =	sst s25  }
0xa7: {  	s6 =	sshll.u32 s26, $0x1;
	_ =	strace $0x80000046;
	[dreg:$0x1] =	wrdreg $0xFFFFFFFF  }
0xa8: {  	s28 =	simm.s32 $_size_execute0_lowered;
	s4 =	sadd.s32 s4, s6;
	[dreg:$0x0] =	wrdreg $0x0  }
0xa9: {  	s6 =	sshll.u32 s28, $0x1;
	[dreg:$0x2] =	wrdreg s4  }
0xaa: {  	[dreg:$0x3] =	wrdreg s6  }
0xab: {  	[dreg:$0x4] =	wrdreg $0xC0  }
0xac: {  	_ =	task [dreg:s8], $0x5FFFF  }
0xad: {  	[dreg:$0x1] =	wrdreg $0xFFFFFFFF  }
0xae: {  	[dreg:$0x0] =	wrdreg $0x60  }
0xaf: {  	[dreg:$0x2] =	wrdreg s24  }
0xb0: {  	[dreg:$0x3] =	wrdreg s2  }
0xb1: {  	[dreg:$0x4] =	wrdreg s18  }
0xb2: {  	[dreg:$0x5] =	wrdreg $0x178000  }
0xb3: {  	[dreg:$0x6] =	wrdreg $0x9  }
0xb4: {  	_ =	task.clear_ibuf [dreg:s8], $0x7FFFF;
	_ =	strace $0x90000046  }
0xb5: {  	s29 =	simm.s32 $0x9;
	_ =	strace $0x80000048  }
0xb6: {  	_ =	swait.ge [sflag:s29], $0x1  }
0xb7: {  	[sflag:s29] =	ssyncadd.s32 $0xFFFFFFFF  }
0xb8: {  	_ =	strace $0x90000048  }
0xb9: {  	_ =	sfence  }
0xba: {  	s30 =	sld [smem:$0x0];
	_ =	sdelay $0x2  }
0xbb: {  	s31 =	sshll.u32 s1, $0xD;
	s1 =	sshrl.u32 s1, $0x2  }
0xbc: {  	s3 =	sand.u32 $0x4000, s31;
	s1 =	sadd.s32 s1, s30  }
0xbd: {  	s0 =	sor.u32 s3, s0;
	s1 =	sshll.u32 s1, $0x11  }
0xbe: {  	s0 =	sor.u32 s1, s0  }
0xbf: {  	s0 =	sadd.s32 $0x8F2B, s0  }
0xc0: {  	[sflag:s0] =	ssyncadd.remote.s32 $0x1  }
0xc1: {  	_ =	sfence.sel $0xFFFF  }
0xc2: {  	[dreg:$0x0] =	wrdreg $0xFFFFFFFF;
	(pc) =	sbr.abs _section_cstart, $3  }
0xc3: {  	[dreg:$0x1] =	wrdreg $0xFFFFFFFF  }
0xc4: {  	_ =	task.clear_ibuf [dreg:s8], $0x2FFFF;
	_ =	strace $0x9FFFFFFF  }
0xc5: {  	(tm) =	ssettm $0x7FFFFFFF  }
tec
execute0_lowered:
.L_overlay_start_1:
0x0: {  	(tag) =	ssettag $0x1  }
0x1: {  	s0 =	rddreg [dreg:$0x0];
	s2 =	srdreg.scid  }
0x2: {  	s11 =	stileid.u32;
	s1 =	rddreg [dreg:$0x1]  }
0x3: {  	s23 =	rddreg [dreg:$0x2];
	s19 =	simm.s32 $0x0;
	s5 =	simm.s32 $0x80  }
0x4: {  	s28 =	simm.s32 $0x3800;
	s16 =	simm.s32 $0x7800;
	s3 =	simm.s32 $0x5  }
0x5: {  	s17 =	simm.s32 $0x7;
	s29 =	simm.s32 $0xA;
	s30 =	simm.s32 $0x7  }
0x6: {  	s31 =	simm.s32 $0xF800;
	s2 =	sand.u32 $0x1, s2;
	s8 =	smul.u32 $0x280, s11  }
0x7: {  	s4 =	sshll.u32 s11, $0x1;
	[smem:$0x7FF] =	sst s19;
	s9 =	smul.u32 $0x5000, s11  }
0x8: {  	s20 =	sshll.u32 s11, $0x6;
	s11 =	simm.s32 $0x4;
	s6 =	sor.u32 s2, s4  }
0x9: {  	s4 =	rddreg [dreg:$0x3];
	s2 =	ssub.s32 $0x2, s2;
	_ =	strace $0x80000047  }
0xa: {  	s21 =	sor.u32 $0x1C10, s20;
	s20 =	simm.s32 $0x6;
	s7 =	smul.u32 $0x380, s6  }
0xb: {  	s10 =	sshrl.u32 s2, $0x1;
	s18 =	sshrl.u32 s9, $0x2;
	s6 =	smul.u32 $0x1900, s6  }
0xc: {  	[dreg:$0x6] =	wrdreg s21;
	s21 =	simm.s32 $0x13800;
	s2 =	ssub.s32 s2, s10  }
0xd: {  	s7 =	sadd.s32 s7, s0;
	s0 =	sadd.s32 s8, s0;
	s25 =	smax.u32 s2, $0x1  }
0xe: {  	v0 =	vlaneseq.u32;
	s9 =	simm.s32 $0x2;
	s0 =	sadd.s32 $0x800, s0;
	[dreg:$0x9] =	wrdreg s25  }
0xf: {  	v1 =	vadd.s32 $0xFFFFFF38, v0;
	v2 =	vor.u32 $0x10, v0;
	v3 =	vadd.s32 $0xFFFFFF48, v0;
	s10 =	simm.s32 $0x3;
	s22 =	sadd.s32 $0x3000, s7;
	[dreg:$0x5] =	wrdreg s0  }
0x10: {  	v4 =	vor.u32 $0x20, v0;
	v5 =	vadd.s32 $0xFFFFFF58, v0;
	v6 =	vor.u32 $0x30, v0;
	s8 =	sadd.s32 s18, s4;
	s24 =	sadd.s32 $0xA000, s7;
	[dreg:$0x7] =	wrdreg s22  }
0x11: {  	v7 =	vadd.s32 $0xFFFFFF68, v0;
	v8 =	vor.u32 $0x40, v0;
	v9 =	vadd.s32 $0xFFFFFF78, v0;
	s18 =	simm.s32 $0xB800;
	s26 =	sshrl.u32 s8, $0x3;
	[dreg:$0x8] =	wrdreg s24  }
0x12: {  	v10 =	vor.u32 $0x50, v0;
	v11 =	vadd.s32 $0xFFFFFF88, v0;
	v12 =	vor.u32 $0x60, v0;
	s25 =	simm.s32 $0x9;
	s7 =	simm.s32 $0x0;
	[dreg:$0xa] =	wrdreg s26  }
0x13: {  	v13 =	vadd.s32 $0xFFFFFF98, v0;
	v14 =	vor.u32 $0x70, v0;
	v15 =	vadd.s32 $0xFFFFFFA8, v0;
	s26 =	simm.s32 $0x1;
	s22 =	simm.s32 $0xF800;
	s24 =	simm.s32 $0x8  }
.LBB2_1:
0x14: {  	[dreg:$0xb] =	wrdreg s7  }
0x15: {  	s0 =	rddreg [dreg:$0x5]  }
0x16: {  	s2 =	rddreg [dreg:$0x6]  }
0x17: {  	s13 =	rddreg [dreg:$0xa]  }
0x18: {  	[spmem:s13], [sflag:s2] =	dma.local [hbm:s0], $0x280  }
0x19: {  	s0 =	rddreg [dreg:$0x7]  }
0x1a: {  	[tilespmem:s19], [sflag:$0x1] =	stream.linear.gather [hbm4b:s0+s19], $0x1900, $0x38;
	[tilespmem:$0x18C00] =	vst v63  }
0x1b: {  	s15 =	simm.s32 $0x1C00;
	s14 =	rddreg [dreg:$0x8]  }
0x1c: {  	[tilespmem:s15], [sflag:$0x6] =	stream.linear.gather [hbm4b:s14+s19], $0x1900, $0x38;
	[tilespmem:$0x18C00] =	vst v63  }
0x1d: {  	_ =	swait.ge [sflag:s26], $0x1900  }
0x1e: {  	[sflag:s26] =	ssyncset.done $0x0  }
0x1f: {  	[sflag:s26] =	ssyncadd.s32 $0xFFFFE700  }
0x20: {  	v17 =	vadd.s32 s19, v2;
	v18 =	vadd.s32 s19, v10;
	_ =	swait.ge [sflag:s20], $0x1900  }
0x21: {  	v19 =	vadd.s32 s19, v8;
	v20 =	vadd.s32 s19, v6;
	v21 =	vadd.s32 s19, v1;
	[sflag:s20] =	ssyncset.done $0x0  }
0x22: {  	v16 =	vadd.s32 s19, v12;
	v23 =	vadd.s32 s19, v5;
	v24 =	vadd.s32 s19, v13;
	s0 =	simm.s32 $0x0;
	[sflag:s20] =	ssyncadd.s32 $0xFFFFE700  }
0x23: {  	v26 =	vadd.s32 s19, v7;
	v59 =	vadd.s32 s19, v15;
	v28 =	vadd.s32 s19, v3;
	v22 =	vld [tilespmem:s0+$0x1C60]  }
0x24: {  	v29 =	vadd.s32 s19, v9;
	v31 =	vadd.s32 s19, v0;
	vm2 =	vgt.s32 v16, $0xC7  }
0x25: {  	v32 =	vadd.s32 s19, v4;
	v60 =	vadd.s32 s19, v11;
	v16 =	vsel vm2, v24, v16  }
0x26: {  	v62 =	vadd.s32 s19, v14;
	vm0 =	vgt.s32 v17, $0xC7;
	v30 =	vmul.u32 $0x3, v16;
	v25 =	vld [tilespmem:s0+$0x1C30]  }
0x27: {  	vm1 =	vgt.s32 v20, $0xC7;
	vm11 =	vgt.s32 v18, $0xC7;
	vm12 =	vgt.s32 v32, $0xC7;
	v33 =	vld [tilespmem:s0+$0x1C50]  }
0x28: {  	vm13 =	vgt.s32 v31, $0xC7;
	vm14 =	vgt.s32 v19, $0xC7;
	v27 =	vld [tilespmem:s0+$0x1C10];
	v22 =	vadd.s32 v30, v22  }
0x29: {  	vm15 =	vgt.s32 v62, $0xC7;
	v20 =	vsel vm1, v26, v20;
	v18 =	vsel vm11, v60, v18;
	[tilespmem:s0+$0x1C60] =	vst v22;
	v22 =	vld [tilespmem:s0+$0x1C40]  }
0x2a: {  	v17 =	vsel vm0, v28, v17;
	v19 =	vsel vm14, v29, v19;
	v18 =	vmul.u32 $0x3, v18  }
0x2b: {  	v23 =	vsel vm12, v23, v32;
	v61 =	vmul.u32 $0x3, v20;
	v20 =	vsel vm13, v21, v31;
	v16 =	vld [tilespmem:s0+$0x1C00]  }
0x2c: {  	v21 =	vmul.u32 $0x3, v17;
	v29 =	vmul.u32 $0x3, v19;
	v63 =	vadd.s32 v18, v33;
	v18 =	vld [tilespmem:s0+$0x1C70]  }
0x2d: {  	s7 =	simm.s32 $0x80;
	p0 =	por $0x0, $0x0;
	s8 =	simm.s32 $0xFFFFFFB8;
	v19 =	vmul.u32 $0x3, v23;
	v20 =	vmul.u32 $0x3, v20;
	v17 =	vld [tilespmem:s0+$0x1C20];
	v23 =	vadd.s32 v61, v25;
	[tilespmem:s0+$0x1C50] =	vst v63  }
0x2e: {  	s2 =	simm.s32 $0x200;
	s7 =	smov.u32 @p0 s8;
	v21 =	vadd.s32 v21, v27;
	[tilespmem:s0+$0x1C30] =	vst v23;
	v23 =	vsel vm15, v59, v62;
	v22 =	vadd.s32 v29, v22  }
.LBB2_2:
0x2f: {  	s8 =	sshra.s32 s2, $0x2;
	v24 =	vadd.s32 s7, v2;
	v25 =	vadd.s32 s7, v10;
	p0 =	sne.s32 s2, $0x6200;
	s2 =	sadd.s32 $0x200, s2;
	[tilespmem:s0+$0x1C40] =	vst v22;
	v22 =	vmul.u32 $0x3, v23  }
0x30: {  	v26 =	vadd.s32 s7, v8;
	v16 =	vadd.s32 v20, v16;
	vm0 =	vgt.s32 v24, $0xC7;
	v23 =	vld [tilespmem:s8+$0x1C30];
	[tilespmem:s0+$0x1C10] =	vst v21  }
0x31: {  	v20 =	vadd.s32 s7, v1;
	v27 =	vadd.s32 s7, v6;
	v21 =	vld [tilespmem:s8+$0x1C10];
	[tilespmem:s0+$0x1C00] =	vst v16;
	v16 =	vadd.s32 v22, v18  }
0x32: {  	vm1 =	vgt.s32 v27, $0xC7;
	v18 =	vadd.s32 s7, v12;
	v17 =	vadd.s32 v19, v17;
	v22 =	vld [tilespmem:s8+$0x1C60];
	[tilespmem:s0+$0x1C70] =	vst v16  }
0x33: {  	v19 =	vadd.s32 s7, v5;
	vm2 =	vgt.s32 v18, $0xC7;
	v16 =	vadd.s32 s7, v13;
	[tilespmem:s0+$0x1C20] =	vst v17;
	s0 =	smov.u32 s8  }
0x34: {  	v28 =	vadd.s32 s7, v15;
	v17 =	vadd.s32 s7, v7;
	v18 =	vsel vm2, v16, v18  }
0x35: {  	v29 =	vadd.s32 s7, v3;
	v30 =	vadd.s32 s7, v9;
	v18 =	vmul.u32 $0x3, v18;
	v16 =	vld [tilespmem:s0+$0x1C00]  }
0x36: {  	v31 =	vadd.s32 s7, v0;
	v32 =	vadd.s32 s7, v4;
	vm2 =	vgt.s32 v25, $0xC7;
	v33 =	vld [tilespmem:s0+$0x1C50]  }
0x37: {  	v17 =	vsel vm1, v17, v27;
	v27 =	vadd.s32 s7, v11;
	v18 =	vadd.s32 v18, v22  }
0x38: {  	vm1 =	vgt.s32 v32, $0xC7;
	v22 =	vmul.u32 $0x3, v17;
	v17 =	vsel vm2, v27, v25;
	[tilespmem:s0+$0x1C60] =	vst v18  }
0x39: {  	vm2 =	vgt.s32 v31, $0xC7;
	v18 =	vsel vm0, v29, v24;
	v17 =	vmul.u32 $0x3, v17;
	v24 =	vld [tilespmem:s0+$0x1C40]  }
.Ltmp0:
0x3a: {  	v25 =	vadd.s32 s7, v14;
	v20 =	vsel vm2, v20, v31;
	vm0 =	vgt.s32 v26, $0xC7;
	(pc) =	sbr.rel @p0 .LBB2_2-.Ltmp0, $4  }
0x3b: {  	s8 =	sadd.s32 $0x80, s7;
	v27 =	vmul.u32 $0x3, v18;
	v26 =	vsel vm0, v30, v26;
	v29 =	vadd.s32 v17, v33;
	v18 =	vld [tilespmem:s0+$0x1C70]  }
0x3c: {  	p1 =	sgt.s32 s8, $0xC7;
	v19 =	vsel vm1, v19, v32;
	s7 =	sadd.s32 $0xFFFFFFB8, s7;
	vm0 =	vgt.s32 v25, $0xC7;
	v26 =	vmul.u32 $0x3, v26;
	v17 =	vld [tilespmem:s0+$0x1C20];
	[tilespmem:s0+$0x1C50] =	vst v29  }
0x3d: {  	v19 =	vmul.u32 $0x3, v19;
	s8 =	smov.u32 @p1 s7;
	v20 =	vmul.u32 $0x3, v20;
	v22 =	vadd.s32 v22, v23  }
0x3e: {  	s7 =	smov.u32 s8;
	v23 =	vsel vm0, v28, v25;
	v21 =	vadd.s32 v27, v21;
	[tilespmem:s0+$0x1C30] =	vst v22;
	v22 =	vadd.s32 v26, v24  }
0x3f: {  	[tilespmem:s0+$0x1C40] =	vst v22;
	v63 =	vmul.u32 $0x3, v23  }
0x40: {  	v16 =	vadd.s32 v20, v16;
	[tilespmem:s0+$0x1C10] =	vst v21  }
0x41: {  	[tilespmem:s0+$0x1C00] =	vst v16;
	v16 =	vadd.s32 v63, v18  }
0x42: {  	v17 =	vadd.s32 v19, v17;
	[tilespmem:s0+$0x1C70] =	vst v16  }
0x43: {  	s7 =	simm.s32 $0x10;
	[tilespmem:s0+$0x1C20] =	vst v17  }
0x44: {  	_ =	swait.ge [sflag:s7], $0x280  }
0x45: {  	p0 =	por $0x0, $0x0;
	[sflag:s7] =	ssyncset.done $0x0  }
0x46: {  	p1 =	por p0, p0;
	[sflag:s7] =	ssyncadd.s32 $0xFFFFFD80  }
0x47: {  	s0 =	simm.s32 @p1 $0xB;
	[bflag:$0x0] =	sbarrier.arrive $0xFFFF  }
0x48: {  	_ =	swait.ge @p1 [sflag:s0], $0x4000  }
0x49: {  	s2 =	simm.s32 @p1 $0x80;
	s8 =	simm.s32 @p1 $0x3800;
	[sflag:s0] =	ssyncset.done @p1 $0x0  }
0x4a: {  	s7 =	simm.s32 @p1 $0xC;
	[sflag:s0] =	ssyncadd.s32 @p1 $0xFFFFC000;
	s0 =	simm.s32 @p1 $0x0  }
0x4b: {  	[tilespmem:s8], [sflag:$0x1] =	stream.indirect.gather @p1 [hbm4b:s1+s2], $0x80, s0, s2, $0xb8;
	[tilespmem:$0x18C00] =	vst v63  }
0x4c: {  	_ =	swait.ge @p1 [sflag:s7], $0x4000  }
0x4d: {  	s0 =	simm.s32 @p1 $0xD;
	[sflag:s7] =	ssyncset.done @p1 $0x0  }
0x4e: {  	s8 =	simm.s32 @p1 $0x7800;
	[sflag:s7] =	ssyncadd.s32 @p1 $0xFFFFC000;
	s7 =	simm.s32 @p1 $0x80  }
0x4f: {  	[tilespmem:s8], [sflag:$0x2] =	stream.indirect.gather @p1 [hbm4b:s1+s2], $0x80, s7, s2, $0xb8;
	[tilespmem:$0x18C00] =	vst v63  }
0x50: {  	_ =	swait.ge @p1 [sflag:s0], $0x4000  }
0x51: {  	s7 =	simm.s32 @p1 $0xE;
	[sflag:s0] =	ssyncset.done @p1 $0x0  }
0x52: {  	s8 =	simm.s32 @p1 $0xB800;
	[sflag:s0] =	ssyncadd.s32 @p1 $0xFFFFC000;
	s0 =	simm.s32 @p1 $0x100  }
0x53: {  	[tilespmem:s8], [sflag:$0x3] =	stream.indirect.gather @p1 [hbm4b:s1+s2], $0x80, s0, s2, $0xb8;
	[tilespmem:$0x18C00] =	vst v63  }
0x54: {  	_ =	swait.ge @p1 [sflag:s7], $0x4000  }
0x55: {  	s0 =	simm.s32 $0x180;
	[sflag:s7] =	ssyncset.done @p1 $0x0  }
0x56: {  	s8 =	simm.s32 @p1 $0xF;
	[sflag:s7] =	ssyncadd.s32 @p1 $0xFFFFC000;
	s7 =	simm.s32 @p1 $0xF800  }
0x57: {  	[tilespmem:s7], [sflag:$0x4] =	stream.indirect.gather @p1 [hbm4b:s1+s2], $0x80, s0, s2, $0xb8;
	[tilespmem:$0x18C00] =	vst v63  }
0x58: {  	_ =	swait.ge @p1 [sflag:s8], $0x4000  }
0x59: {  	s0 =	simm.s32 @!p1 $0x3800;
	[sflag:s8] =	ssyncset.done @p1 $0x0  }
0x5a: {  	s2 =	simm.s32 @!p1 $0x80;
	s7 =	simm.s32 @!p1 $0x0;
	[sflag:s8] =	ssyncadd.s32 @p1 $0xFFFFC000  }
0x5b: {  	[tilespmem:s0], [sflag:$0x1] =	stream.indirect.gather @!p1 [hbm4b:s1+s2], $0x80, s7, s2, $0xb8;
	[tilespmem:$0x18C00] =	vst v63  }
0x5c: {  	s0 =	simm.s32 @!p1 $0x7800  }
0x5d: {  	[tilespmem:s0], [sflag:$0x2] =	stream.indirect.gather @!p1 [hbm4b:s1+s2], $0x80, s2, s2, $0xb8;
	[tilespmem:$0x18C00] =	vst v63  }
0x5e: {  	s8 =	simm.s32 @!p1 $0xB800;
	s7 =	simm.s32 @p0 $0x0;
	s0 =	simm.s32 @!p1 $0x100  }
0x5f: {  	[tilespmem:s8], [sflag:$0x3] =	stream.indirect.gather @!p1 [hbm4b:s1+s2], $0x80, s0, s2, $0xb8;
	[tilespmem:$0x18C00] =	vst v63  }
0x60: {  	s7 =	simm.s32 @!p0 $0x0;
	s0 =	simm.s32 @!p1 $0x180;
	s8 =	simm.s32 @!p1 $0xF800  }
0x61: {  	[tilespmem:s8], [sflag:$0x4] =	stream.indirect.gather @!p1 [hbm4b:s1+s2], $0x80, s0, s2, $0xb8;
	[tilespmem:$0x18C00] =	vst v63  }
0x62: {  	s14 =	sadd.s32 $0x200, s7  }
0x63: {  	[tilespmem:s21], [sflag:$0x5] =	stream.indirect.gather [hbm4b:s1+s5], $0x80, s14, s5, $0xb8;
	[tilespmem:$0x18C00] =	vst v63  }
0x64: {  	_ =	swait.ge [sflag:s26], $0x4000  }
0x65: {  	[sflag:s26] =	ssyncset.done $0x0  }
0x66: {  	s8 =	sadd.s32 $0x1C00, s7;
	[sflag:s26] =	ssyncadd.s32 $0xFFFFC000  }
0x67: {  	[tilespmem:s28], [sflag:$0x6] =	stream.indirect.gather.add.f32 [spmem:s4], $0x80, s8, s5, $0xb8;
	[tilespmem:$0x18C00] =	vst v63  }
0x68: {  	s15 =	sadd.s32 s6, s7;
	s2 =	simm.s32 @p0 $0x80;
	_ =	swait.ge [sflag:s9], $0x4000  }
0x69: {  	s0 =	simm.s32 $0x400;
	s2 =	simm.s32 @!p0 $0x80;
	[sflag:s9] =	ssyncset.done $0x0  }
0x6a: {  	s7 =	sadd.s32 $0x1E00, s7;
	s12 =	sadd.s32 $0x1C00, s2;
	[sflag:s9] =	ssyncadd.s32 $0xFFFFC000  }
0x6b: {  	[tilespmem:s16], [sflag:$0x7] =	stream.indirect.gather.add.f32 [spmem:s4], $0x80, s12, s5, $0xb8;
	[tilespmem:$0x18C00] =	vst v63  }
0x6c: {  	s2 =	sadd.s32 s6, s2;
	s8 =	simm.s32 @p0 $0x100;
	_ =	swait.ge [sflag:s10], $0x4000  }
0x6d: {  	s2 =	sshll.u32 s2, $0x4;
	s8 =	simm.s32 @!p0 $0x100;
	[sflag:s10] =	ssyncset.done $0x0  }
0x6e: {  	s2 =	sadd.s32 s23, s2;
	s13 =	sadd.s32 $0x1C00, s8;
	[sflag:s10] =	ssyncadd.s32 $0xFFFFC000  }
0x6f: {  	[tilespmem:s18], [sflag:$0x8] =	stream.indirect.gather.add.f32 [spmem:s4], $0x80, s13, s5, $0xb8;
	[tilespmem:$0x18C00] =	vst v63  }
0x70: {  	s8 =	sadd.s32 s6, s8;
	s9 =	simm.s32 $0x180;
	_ =	swait.ge [sflag:s11], $0x4000  }
0x71: {  	s8 =	sshll.u32 s8, $0x4;
	s9 =	simm.s32 @!p0 $0x180;
	[sflag:s11] =	ssyncset.done $0x0  }
0x72: {  	s12 =	sshll.u32 s15, $0x4;
	s26 =	sadd.s32 $0x1C00, s9;
	[sflag:s11] =	ssyncadd.s32 $0xFFFFC000  }
0x73: {  	[tilespmem:s22], [sflag:$0x9] =	stream.indirect.gather.add.f32 [spmem:s4], $0x80, s26, s5, $0xb8;
	[tilespmem:$0x18C00] =	vst v63  }
0x74: {  	p0 =	por $0x1, $0x1;
	s9 =	sadd.s32 s6, s9;
	_ =	swait.ge [sflag:s3], $0x4000  }
0x75: {  	s8 =	sadd.s32 s23, s8;
	s15 =	sshll.u32 s9, $0x4;
	[sflag:s3] =	ssyncset.done $0x0  }
0x76: {  	s9 =	simm.s32 $0x680;
	s10 =	simm.s32 @p0 $0x280;
	[sflag:s3] =	ssyncadd.s32 $0xFFFFC000  }
0x77: {  	[tilespmem:s21], [sflag:$0xA] =	stream.indirect.gather.add.f32 [spmem:s4], $0x80, s7, s5, $0xb8;
	[tilespmem:$0x18C00] =	vst v63  }
0x78: {  	s13 =	simm.s32 @p0 $0x300;
	s10 =	simm.s32 @!p0 $0x0;
	_ =	swait.ge [sflag:s20], $0x4000  }
0x79: {  	s13 =	simm.s32 @!p0 $0x80;
	s11 =	simm.s32 $0x400;
	[sflag:s20] =	ssyncset.done $0x0  }
0x7a: {  	s11 =	simm.s32 @!p0 $0x180;
	s3 =	sadd.s32 s23, s12;
	[sflag:s20] =	ssyncadd.s32 $0xFFFFC000  }
0x7b: {  	[hbm4b:s3+s19] =	stream.linear.scatter [tilespmem:s28], [sflag:$0xB], $0x4000, $0x38;
	[tilespmem:$0x18C00] =	vst v63  }
0x7c: {  	s26 =	sadd.s32 s23, s15;
	s12 =	sadd.s32 s6, s13;
	_ =	swait.ge [sflag:s17], $0x4000  }
0x7d: {  	s7 =	simm.s32 @p0 $0x380;
	s5 =	sadd.s32 s6, s10;
	[sflag:s17] =	ssyncset.done $0x0  }
0x7e: {  	s7 =	simm.s32 @!p0 $0x100;
	p0 =	por p0, p0;
	[sflag:s17] =	ssyncadd.s32 $0xFFFFC000  }
0x7f: {  	[hbm4b:s2+s19] =	stream.linear.scatter [tilespmem:s16], [sflag:$0xC], $0x4000, $0x38;
	[tilespmem:$0x18C00] =	vst v63  }
0x80: {  	s20 =	simm.s32 $0x0;
	s3 =	simm.s32 $0x80;
	_ =	swait.ge [sflag:s24], $0x4000  }
0x81: {  	s17 =	sadd.s32 s6, s7;
	s16 =	sshll.u32 s5, $0x4;
	[sflag:s24] =	ssyncset.done $0x0  }
0x82: {  	s2 =	sshll.u32 s12, $0x4;
	s12 =	sshll.u32 s17, $0x4;
	[sflag:s24] =	ssyncadd.s32 $0xFFFFC000  }
0x83: {  	[hbm4b:s8+s19] =	stream.linear.scatter [tilespmem:s18], [sflag:$0xD], $0x4000, $0x38;
	[tilespmem:$0x18C00] =	vst v63  }
0x84: {  	s5 =	smov.u32 s4;
	s4 =	smov.u32 s23;
	_ =	swait.ge [sflag:s25], $0x4000  }
0x85: {  	s24 =	sadd.s32 s6, s14;
	s14 =	simm.s32 @p0 $0xD;
	[sflag:s25] =	ssyncset.done $0x0  }
0x86: {  	s19 =	sadd.s32 s6, s11;
	s18 =	simm.s32 @p0 $0x80;
	[sflag:s25] =	ssyncadd.s32 $0xFFFFC000  }
0x87: {  	[hbm4b:s26+s20] =	stream.linear.scatter [tilespmem:s22], [sflag:$0xE], $0x4000, $0x38;
	[tilespmem:$0x18C00] =	vst v63  }
0x88: {  	s28 =	sshll.u32 s24, $0x4;
	s8 =	sshll.u32 s19, $0x4;
	_ =	swait.ge [sflag:s29], $0x4000  }
0x89: {  	s19 =	simm.s32 $0x0;
	s15 =	sadd.s32 s23, s28;
	[sflag:s29] =	ssyncset.done $0x0  }
0x8a: {  	s25 =	simm.s32 @p0 $0xC;
	s22 =	simm.s32 @p0 $0x3800;
	[sflag:s29] =	ssyncadd.s32 $0xFFFFC000  }
.LBB2_4:
0x8b: {  	[hbm4b:s15+s19] =	stream.linear.scatter [tilespmem:s21], [sflag:$0xF], $0x4000, $0x38;
	[tilespmem:$0x18C00] =	vst v63  }
0x8c: {  	s23 =	smov.u32 s9;
	s17 =	simm.s32 $0x0  }
0x8d: {  	s19 =	smov.u32 s8;
	s9 =	sadd.s32 $0x280, s9;
	s8 =	simm.s32 @p0 $0xB  }
0x8e: {  	s28 =	simm.s32 $0x13800;
	p2 =	sne.s32 s23, $0x180;
	s15 =	smov.u32 s23  }
0x8f: {  	s21 =	sadd.s32 @p2 $0xFFFFFE80, s23;
	s20 =	sadd.s32 @p2 $0xFFFFFF00, s23;
	_ =	swait.ge @p0 [sflag:s8], $0x4000  }
0x90: {  	s15 =	simm.s32 @!p2 $0x180;
	s21 =	simm.s32 @!p2 $0x0;
	[sflag:s8] =	ssyncset.done @p0 $0x0  }
0x91: {  	s20 =	simm.s32 @!p2 $0x80;
	[sflag:s8] =	ssyncadd.s32 @p0 $0xFFFFC000;
	s8 =	sadd.s32 @p0 $0xFFFFFE80, s0  }
0x92: {  	[tilespmem:s22], [sflag:$0x1] =	stream.indirect.gather @p0 [hbm4b:s1+s18], $0x80, s8, s18, $0xb8;
	[tilespmem:$0x18C00] =	vst v63  }
0x93: {  	s22 =	sadd.s32 @p2 $0xFFFFFF80, s23;
	s8 =	sadd.s32 s6, s21;
	_ =	swait.ge @p0 [sflag:s25], $0x4000  }
0x94: {  	s22 =	simm.s32 @!p2 $0x100;
	s23 =	sshll.u32 s8, $0x4;
	[sflag:s25] =	ssyncset.done @p0 $0x0  }
0x95: {  	s24 =	simm.s32 @p0 $0x7800;
	s8 =	sadd.s32 @p0 $0xFFFFFF00, s0;
	[sflag:s25] =	ssyncadd.s32 @p0 $0xFFFFC000  }
0x96: {  	[tilespmem:s24], [sflag:$0x2] =	stream.indirect.gather @p0 [hbm4b:s1+s18], $0x80, s8, s18, $0xb8;
	[tilespmem:$0x18C00] =	vst v63  }
0x97: {  	s8 =	sadd.s32 s6, s20;
	s24 =	sadd.s32 s6, s22;
	_ =	swait.ge @p0 [sflag:s14], $0x4000  }
0x98: {  	s26 =	simm.s32 @p0 $0xE;
	s25 =	sshll.u32 s8, $0x4;
	[sflag:s14] =	ssyncset.done @p0 $0x0  }
0x99: {  	s8 =	sadd.s32 @p0 $0xFFFFFF80, s0;
	[sflag:s14] =	ssyncadd.s32 @p0 $0xFFFFC000;
	s14 =	simm.s32 @p0 $0xB800  }
0x9a: {  	[tilespmem:s14], [sflag:$0x3] =	stream.indirect.gather @p0 [hbm4b:s1+s18], $0x80, s8, s18, $0xb8;
	[tilespmem:$0x18C00] =	vst v63  }
0x9b: {  	s14 =	sshll.u32 s24, $0x4;
	s8 =	sadd.s32 s6, s15;
	_ =	swait.ge @p0 [sflag:s26], $0x4000  }
0x9c: {  	p1 =	sne.s32 s9, $0x1A80;
	s8 =	sshll.u32 s8, $0x4;
	[sflag:s26] =	ssyncset.done @p0 $0x0  }
0x9d: {  	s24 =	simm.s32 @p0 $0xF800;
	[sflag:s26] =	ssyncadd.s32 @p0 $0xFFFFC000;
	s26 =	simm.s32 @p0 $0xF  }
0x9e: {  	[tilespmem:s24], [sflag:$0x4] =	stream.indirect.gather @p0 [hbm4b:s1+s18], $0x80, s0, s18, $0xb8;
	[tilespmem:$0x18C00] =	vst v63  }
0x9f: {  	_ =	swait.ge @p0 [sflag:s26], $0x4000  }
0xa0: {  	s18 =	simm.s32 @!p0 $0x3800;
	[sflag:s26] =	ssyncset.done @p0 $0x0  }
0xa1: {  	s24 =	simm.s32 @!p0 $0x80;
	[sflag:s26] =	ssyncadd.s32 @p0 $0xFFFFC000;
	s26 =	simm.s32 @!p0 $0x0  }
0xa2: {  	[tilespmem:s18], [sflag:$0x1] =	stream.indirect.gather @!p0 [hbm4b:s1+s24], $0x80, s26, s24, $0xb8;
	[tilespmem:$0x18C00] =	vst v63  }
0xa3: {  	s18 =	simm.s32 @!p0 $0x7800  }
0xa4: {  	[tilespmem:s18], [sflag:$0x2] =	stream.indirect.gather @!p0 [hbm4b:s1+s24], $0x80, s24, s24, $0xb8;
	[tilespmem:$0x18C00] =	vst v63  }
0xa5: {  	s26 =	simm.s32 @!p0 $0xB800;
	s18 =	simm.s32 @!p0 $0x100  }
0xa6: {  	[tilespmem:s26], [sflag:$0x3] =	stream.indirect.gather @!p0 [hbm4b:s1+s24], $0x80, s18, s24, $0xb8;
	[tilespmem:$0x18C00] =	vst v63  }
0xa7: {  	s18 =	simm.s32 @!p0 $0x180;
	s26 =	simm.s32 @!p0 $0xF800  }
0xa8: {  	[tilespmem:s26], [sflag:$0x4] =	stream.indirect.gather @!p0 [hbm4b:s1+s24], $0x80, s18, s24, $0xb8;
	[tilespmem:$0x18C00] =	vst v63  }
0xa9: {  	s26 =	simm.s32 $0x1  }
0xaa: {  	s18 =	sadd.s32 $0x200, s10;
	p0 =	por p2, p2  }
0xab: {  	[tilespmem:s28], [sflag:$0x5] =	stream.indirect.gather [hbm4b:s1+s3], $0x80, s18, s3, $0xb8;
	[tilespmem:$0x18C00] =	vst v63  }
0xac: {  	s28 =	simm.s32 $0x3800  }
0xad: {  	s24 =	sadd.s32 s6, s18;
	_ =	swait.ge [sflag:s26], $0x4000  }
0xae: {  	[sflag:s26] =	ssyncset.done $0x0  }
0xaf: {  	s18 =	sadd.s32 $0x1C00, s10;
	[sflag:s26] =	ssyncadd.s32 $0xFFFFC000  }
0xb0: {  	[tilespmem:s28], [sflag:$0x6] =	stream.indirect.gather.add.f32 [spmem:s5], $0x80, s18, s3, $0xb8;
	[tilespmem:$0x18C00] =	vst v63  }
0xb1: {  	s18 =	simm.s32 $0x2  }
0xb2: {  	_ =	swait.ge [sflag:s18], $0x4000  }
0xb3: {  	[sflag:s18] =	ssyncset.done $0x0  }
0xb4: {  	s29 =	simm.s32 $0x7800;
	[sflag:s18] =	ssyncadd.s32 $0xFFFFC000  }
0xb5: {  	s18 =	sadd.s32 $0x1C00, s13;
	s13 =	smov.u32 s20;
	s20 =	simm.s32 $0x6  }
0xb6: {  	[tilespmem:s29], [sflag:$0x7] =	stream.indirect.gather.add.f32 [spmem:s5], $0x80, s18, s3, $0xb8;
	[tilespmem:$0x18C00] =	vst v63  }
0xb7: {  	s18 =	simm.s32 $0x3  }
0xb8: {  	_ =	swait.ge [sflag:s18], $0x4000  }
0xb9: {  	[sflag:s18] =	ssyncset.done $0x0  }
0xba: {  	[sflag:s18] =	ssyncadd.s32 $0xFFFFC000  }
0xbb: {  	s18 =	sadd.s32 $0x1C00, s7;
	s7 =	smov.u32 s22;
	s22 =	simm.s32 $0xB800  }
0xbc: {  	[tilespmem:s22], [sflag:$0x8] =	stream.indirect.gather.add.f32 [spmem:s5], $0x80, s18, s3, $0xb8;
	[tilespmem:$0x18C00] =	vst v63  }
0xbd: {  	s18 =	simm.s32 $0x4  }
0xbe: {  	_ =	swait.ge [sflag:s18], $0x4000  }
0xbf: {  	[sflag:s18] =	ssyncset.done $0x0  }
0xc0: {  	[sflag:s18] =	ssyncadd.s32 $0xFFFFC000  }
0xc1: {  	s18 =	sadd.s32 $0x1C00, s11;
	s11 =	smov.u32 s15;
	s15 =	simm.s32 $0x5  }
0xc2: {  	[tilespmem:s31], [sflag:$0x9] =	stream.indirect.gather.add.f32 [spmem:s5], $0x80, s18, s3, $0xb8;
	[tilespmem:$0x18C00] =	vst v63  }
0xc3: {  	_ =	swait.ge [sflag:s15], $0x4000  }
0xc4: {  	[sflag:s15] =	ssyncset.done $0x0  }
0xc5: {  	[sflag:s15] =	ssyncadd.s32 $0xFFFFC000  }
0xc6: {  	s15 =	sadd.s32 $0x1E00, s10;
	s10 =	smov.u32 s21;
	s21 =	simm.s32 $0x13800  }
0xc7: {  	[tilespmem:s21], [sflag:$0xA] =	stream.indirect.gather.add.f32 [spmem:s5], $0x80, s15, s3, $0xb8;
	[tilespmem:$0x18C00] =	vst v63  }
0xc8: {  	_ =	swait.ge [sflag:s20], $0x4000  }
0xc9: {  	[sflag:s20] =	ssyncset.done $0x0  }
0xca: {  	s15 =	sadd.s32 s4, s16;
	s16 =	smov.u32 s23;
	[sflag:s20] =	ssyncadd.s32 $0xFFFFC000  }
0xcb: {  	[hbm4b:s15+s17] =	stream.linear.scatter [tilespmem:s28], [sflag:$0xB], $0x4000, $0x38;
	[tilespmem:$0x18C00] =	vst v63  }
0xcc: {  	_ =	swait.ge [sflag:s30], $0x4000  }
0xcd: {  	[sflag:s30] =	ssyncset.done $0x0  }
0xce: {  	s15 =	sadd.s32 s4, s2;
	s2 =	smov.u32 s25;
	[sflag:s30] =	ssyncadd.s32 $0xFFFFC000  }
0xcf: {  	[hbm4b:s15+s17] =	stream.linear.scatter [tilespmem:s29], [sflag:$0xC], $0x4000, $0x38;
	[tilespmem:$0x18C00] =	vst v63  }
0xd0: {  	s15 =	simm.s32 $0x8  }
0xd1: {  	_ =	swait.ge [sflag:s15], $0x4000  }
0xd2: {  	[sflag:s15] =	ssyncset.done $0x0  }
0xd3: {  	[sflag:s15] =	ssyncadd.s32 $0xFFFFC000  }
0xd4: {  	s15 =	sadd.s32 s4, s12;
	s12 =	smov.u32 s14;
	s14 =	simm.s32 $0x9  }
0xd5: {  	[hbm4b:s15+s17] =	stream.linear.scatter [tilespmem:s22], [sflag:$0xD], $0x4000, $0x38;
	[tilespmem:$0x18C00] =	vst v63  }
0xd6: {  	_ =	swait.ge [sflag:s14], $0x4000  }
0xd7: {  	[sflag:s14] =	ssyncset.done $0x0  }
0xd8: {  	s0 =	sadd.s32 $0x280, s0;
	s17 =	simm.s32 $0xA;
	[sflag:s14] =	ssyncadd.s32 $0xFFFFC000  }
.Ltmp1:
0xd9: {  	s14 =	sadd.s32 s4, s19;
	s19 =	simm.s32 $0x0;
	(pc) =	sbr.rel @p1 .LBB2_4-.Ltmp1, $4  }
0xda: {  	[hbm4b:s14+s19] =	stream.linear.scatter [tilespmem:s31], [sflag:$0xE], $0x4000, $0x38;
	[tilespmem:$0x18C00] =	vst v63  }
0xdb: {  	s18 =	simm.s32 @p0 $0x80;
	s14 =	simm.s32 @p0 $0xD;
	_ =	swait.ge [sflag:s17], $0x4000  }
0xdc: {  	s25 =	simm.s32 @p0 $0xC;
	s15 =	sshll.u32 s24, $0x4;
	[sflag:s17] =	ssyncset.done $0x0  }
0xdd: {  	s22 =	simm.s32 @p0 $0x3800;
	s15 =	sadd.s32 s4, s15;
	[sflag:s17] =	ssyncadd.s32 $0xFFFFC000  }
0xde: {  	[hbm4b:s15+s19] =	stream.linear.scatter [tilespmem:s21], [sflag:$0xF], $0x4000, $0x38;
	[tilespmem:$0x18C00] =	vst v63  }
0xdf: {  	s9 =	simm.s32 @p0 $0xB  }
0xe0: {  	_ =	swait.ge @p0 [sflag:s9], $0x4000  }
0xe1: {  	[sflag:s9] =	ssyncset.done @p0 $0x0  }
0xe2: {  	[sflag:s9] =	ssyncadd.s32 @p0 $0xFFFFC000;
	s9 =	sadd.s32 @p0 $0xFFFFFE80, s0  }
0xe3: {  	[tilespmem:s22], [sflag:$0x1] =	stream.indirect.gather @p0 [hbm4b:s1+s18], $0x80, s9, s18, $0xb8;
	[tilespmem:$0x18C00] =	vst v63  }
0xe4: {  	_ =	swait.ge @p0 [sflag:s25], $0x4000  }
0xe5: {  	[sflag:s25] =	ssyncset.done @p0 $0x0  }
0xe6: {  	s15 =	simm.s32 @p0 $0x7800;
	s9 =	sadd.s32 @p0 $0xFFFFFF00, s0;
	[sflag:s25] =	ssyncadd.s32 @p0 $0xFFFFC000  }
0xe7: {  	[tilespmem:s15], [sflag:$0x2] =	stream.indirect.gather @p0 [hbm4b:s1+s18], $0x80, s9, s18, $0xb8;
	[tilespmem:$0x18C00] =	vst v63  }
0xe8: {  	_ =	swait.ge @p0 [sflag:s14], $0x4000  }
0xe9: {  	[sflag:s14] =	ssyncset.done @p0 $0x0  }
0xea: {  	s9 =	sadd.s32 @p0 $0xFFFFFF80, s0;
	[sflag:s14] =	ssyncadd.s32 @p0 $0xFFFFC000;
	s14 =	simm.s32 @p0 $0xB800  }
0xeb: {  	[tilespmem:s14], [sflag:$0x3] =	stream.indirect.gather @p0 [hbm4b:s1+s18], $0x80, s9, s18, $0xb8;
	[tilespmem:$0x18C00] =	vst v63  }
0xec: {  	s9 =	simm.s32 @p0 $0xE  }
0xed: {  	_ =	swait.ge @p0 [sflag:s9], $0x4000  }
0xee: {  	[sflag:s9] =	ssyncset.done @p0 $0x0  }
0xef: {  	[sflag:s9] =	ssyncadd.s32 @p0 $0xFFFFC000;
	s9 =	simm.s32 @p0 $0xF800  }
0xf0: {  	[tilespmem:s9], [sflag:$0x4] =	stream.indirect.gather @p0 [hbm4b:s1+s18], $0x80, s0, s18, $0xb8;
	[tilespmem:$0x18C00] =	vst v63  }
0xf1: {  	s0 =	simm.s32 @p0 $0xF  }
0xf2: {  	_ =	swait.ge @p0 [sflag:s0], $0x4000  }
0xf3: {  	s14 =	simm.s32 @!p0 $0x0;
	[sflag:s0] =	ssyncset.done @p0 $0x0  }
0xf4: {  	s9 =	simm.s32 @!p0 $0x3800;
	[sflag:s0] =	ssyncadd.s32 @p0 $0xFFFFC000;
	s0 =	simm.s32 @!p0 $0x80  }
0xf5: {  	[tilespmem:s9], [sflag:$0x1] =	stream.indirect.gather @!p0 [hbm4b:s1+s0], $0x80, s14, s0, $0xb8;
	[tilespmem:$0x18C00] =	vst v63  }
0xf6: {  	s9 =	simm.s32 @!p0 $0x7800  }
0xf7: {  	[tilespmem:s9], [sflag:$0x2] =	stream.indirect.gather @!p0 [hbm4b:s1+s0], $0x80, s0, s0, $0xb8;
	[tilespmem:$0x18C00] =	vst v63  }
0xf8: {  	s14 =	simm.s32 @!p0 $0xB800;
	s9 =	simm.s32 @!p0 $0x100  }
0xf9: {  	[tilespmem:s14], [sflag:$0x3] =	stream.indirect.gather @!p0 [hbm4b:s1+s0], $0x80, s9, s0, $0xb8;
	[tilespmem:$0x18C00] =	vst v63  }
0xfa: {  	s9 =	simm.s32 @!p0 $0x180;
	s14 =	simm.s32 @!p0 $0xF800  }
0xfb: {  	[tilespmem:s14], [sflag:$0x4] =	stream.indirect.gather @!p0 [hbm4b:s1+s0], $0x80, s9, s0, $0xb8;
	[tilespmem:$0x18C00] =	vst v63  }
0xfc: {  	s0 =	sadd.s32 $0x200, s10  }
0xfd: {  	[tilespmem:s21], [sflag:$0x5] =	stream.indirect.gather [hbm4b:s1+s3], $0x80, s0, s3, $0xb8;
	[tilespmem:$0x18C00] =	vst v63  }
0xfe: {  	_ =	swait.ge [sflag:s26], $0x4000  }
0xff: {  	[sflag:s26] =	ssyncset.done $0x0  }
0x100: {  	s24 =	sadd.s32 $0x1C00, s10;
	s25 =	simm.s32 $0x2;
	[sflag:s26] =	ssyncadd.s32 $0xFFFFC000  }
0x101: {  	[tilespmem:s28], [sflag:$0x6] =	stream.indirect.gather.add.f32 [spmem:s5], $0x80, s24, s3, $0xb8;
	[tilespmem:$0x18C00] =	vst v63  }
0x102: {  	_ =	swait.ge [sflag:s25], $0x4000  }
0x103: {  	s13 =	sadd.s32 $0x1C00, s13;
	[sflag:s25] =	ssyncset.done $0x0  }
0x104: {  	s15 =	simm.s32 $0x3;
	s14 =	simm.s32 $0x7800;
	[sflag:s25] =	ssyncadd.s32 $0xFFFFC000  }
0x105: {  	[tilespmem:s14], [sflag:$0x7] =	stream.indirect.gather.add.f32 [spmem:s5], $0x80, s13, s3, $0xb8;
	[tilespmem:$0x18C00] =	vst v63  }
0x106: {  	_ =	swait.ge [sflag:s15], $0x4000  }
0x107: {  	s7 =	sadd.s32 $0x1C00, s7;
	[sflag:s15] =	ssyncset.done $0x0  }
0x108: {  	s17 =	simm.s32 $0xB800;
	s18 =	simm.s32 $0x4;
	[sflag:s15] =	ssyncadd.s32 $0xFFFFC000  }
0x109: {  	[tilespmem:s17], [sflag:$0x8] =	stream.indirect.gather.add.f32 [spmem:s5], $0x80, s7, s3, $0xb8;
	[tilespmem:$0x18C00] =	vst v63  }
0x10a: {  	_ =	swait.ge [sflag:s18], $0x4000  }
0x10b: {  	s23 =	simm.s32 $0xF800;
	[sflag:s18] =	ssyncset.done $0x0  }
0x10c: {  	s22 =	sadd.s32 $0x1C00, s11;
	s24 =	simm.s32 $0x5;
	[sflag:s18] =	ssyncadd.s32 $0xFFFFC000  }
0x10d: {  	[tilespmem:s23], [sflag:$0x9] =	stream.indirect.gather.add.f32 [spmem:s5], $0x80, s22, s3, $0xb8;
	[tilespmem:$0x18C00] =	vst v63  }
0x10e: {  	_ =	swait.ge [sflag:s24], $0x4000  }
0x10f: {  	[sflag:s24] =	ssyncset.done $0x0  }
0x110: {  	s25 =	sadd.s32 $0x1E00, s10;
	[sflag:s24] =	ssyncadd.s32 $0xFFFFC000  }
0x111: {  	[tilespmem:s21], [sflag:$0xA] =	stream.indirect.gather.add.f32 [spmem:s5], $0x80, s25, s3, $0xb8;
	[tilespmem:$0x18C00] =	vst v63  }
0x112: {  	_ =	swait.ge [sflag:s20], $0x4000  }
0x113: {  	[sflag:s20] =	ssyncset.done $0x0  }
0x114: {  	s3 =	sadd.s32 s4, s16;
	[sflag:s20] =	ssyncadd.s32 $0xFFFFC000  }
0x115: {  	[hbm4b:s3+s19] =	stream.linear.scatter [tilespmem:s28], [sflag:$0xB], $0x4000, $0x38;
	[tilespmem:$0x18C00] =	vst v63  }
0x116: {  	_ =	swait.ge [sflag:s30], $0x4000  }
0x117: {  	[sflag:s30] =	ssyncset.done $0x0  }
0x118: {  	s2 =	sadd.s32 s4, s2;
	s10 =	simm.s32 $0x8;
	[sflag:s30] =	ssyncadd.s32 $0xFFFFC000  }
0x119: {  	[hbm4b:s2+s19] =	stream.linear.scatter [tilespmem:s14], [sflag:$0xC], $0x4000, $0x38;
	[tilespmem:$0x18C00] =	vst v63  }
0x11a: {  	_ =	swait.ge [sflag:s10], $0x4000  }
0x11b: {  	[sflag:s10] =	ssyncset.done $0x0  }
0x11c: {  	s12 =	sadd.s32 s4, s12;
	s13 =	simm.s32 $0x9;
	[sflag:s10] =	ssyncadd.s32 $0xFFFFC000  }
0x11d: {  	[hbm4b:s12+s19] =	stream.linear.scatter [tilespmem:s17], [sflag:$0xD], $0x4000, $0x38;
	[tilespmem:$0x18C00] =	vst v63  }
0x11e: {  	_ =	swait.ge [sflag:s13], $0x4000  }
0x11f: {  	[sflag:s13] =	ssyncset.done $0x0  }
0x120: {  	s15 =	simm.s32 $0xA;
	s14 =	sadd.s32 s4, s8;
	[sflag:s13] =	ssyncadd.s32 $0xFFFFC000  }
0x121: {  	[hbm4b:s14+s19] =	stream.linear.scatter [tilespmem:s23], [sflag:$0xE], $0x4000, $0x38;
	[tilespmem:$0x18C00] =	vst v63  }
0x122: {  	s0 =	sadd.s32 s6, s0;
	_ =	swait.ge [sflag:s15], $0x4000  }
0x123: {  	s0 =	sshll.u32 s0, $0x4;
	[sflag:s15] =	ssyncset.done $0x0  }
0x124: {  	s0 =	sadd.s32 s4, s0;
	s16 =	simm.s32 $0xB;
	[sflag:s15] =	ssyncadd.s32 $0xFFFFC000  }
0x125: {  	[hbm4b:s0+s19] =	stream.linear.scatter [tilespmem:s21], [sflag:$0xF], $0x4000, $0x38;
	[tilespmem:$0x18C00] =	vst v63  }
0x126: {  	_ =	swait.ge [sflag:s16], $0x4000  }
0x127: {  	[sflag:s16] =	ssyncset.done $0x0  }
0x128: {  	s17 =	simm.s32 $0xC;
	[sflag:s16] =	ssyncadd.s32 $0xFFFFC000  }
0x129: {  	_ =	swait.ge [sflag:s17], $0x4000  }
0x12a: {  	[sflag:s17] =	ssyncset.done $0x0  }
0x12b: {  	s18 =	simm.s32 $0xD;
	[sflag:s17] =	ssyncadd.s32 $0xFFFFC000  }
0x12c: {  	_ =	swait.ge [sflag:s18], $0x4000  }
0x12d: {  	[sflag:s18] =	ssyncset.done $0x0  }
0x12e: {  	s22 =	simm.s32 $0xE;
	[sflag:s18] =	ssyncadd.s32 $0xFFFFC000  }
0x12f: {  	_ =	swait.ge [sflag:s22], $0x4000  }
0x130: {  	[sflag:s22] =	ssyncset.done $0x0  }
0x131: {  	s23 =	simm.s32 $0xF;
	[sflag:s22] =	ssyncadd.s32 $0xFFFFC000  }
0x132: {  	_ =	swait.ge [sflag:s23], $0x4000  }
0x133: {  	s24 =	rddreg [dreg:$0xb]  }
0x134: {  	s25 =	rddreg [dreg:$0x9];
	s7 =	sadd.s32 $0x1, s24  }
0x135: {  	s29 =	simm.s32 $0xA;
	s11 =	simm.s32 $0x4;
	p0 =	sne.s32 s7, s25  }
.Ltmp2:
0x136: {  	s9 =	simm.s32 $0x2;
	s3 =	simm.s32 $0x5;
	(pc) =	sbr.rel @p0 .LBB2_1-.Ltmp2, $4  }
0x137: {  	s10 =	simm.s32 $0x3;
	s16 =	simm.s32 $0x7800;
	s17 =	simm.s32 $0x7  }
0x138: {  	s18 =	simm.s32 $0xB800;
	s22 =	simm.s32 $0xF800;
	[sflag:s23] =	ssyncset.done $0x0  }
0x139: {  	[sflag:s23] =	ssyncadd.s32 $0xFFFFC000;
	s23 =	smov.u32 s4;
	s4 =	smov.u32 s5  }
0x13a: {  	s5 =	simm.s32 $0x80;
	s24 =	simm.s32 $0x8;
	s25 =	simm.s32 $0x9  }
0x13b: {  	_ =	sfence.sel $0x180000  }
0x13c: {  	[bflag:$0x0] =	sbarrier.arrive $0xFFFF  }
0x13d: {  	_ =	strace $0x90000047  }
0x13e: {  	s0 =	stileid.u32;
	[bflag:$0x2] =	sbarrier.arrive $0xFFFF  }
0x13f: {  	p0 =	sne.s32 s0, $0x0;
	s0 =	rddreg [dreg:$0x4]  }
0x140: {  	s0 =	sadd.s32 @!p0 $0x100000, s0  }
0x141: {  	[sflag:s0] =	ssyncadd.tile.s32 @!p0 $0x1;
	_ =	shalt  }
.Lfunc_end2:
_tile_overlayer_lowered:
.L_overlay_start_2:
0x142: {  	(tag) =	ssettag $0x2  }
0x143: {  	s0 =	rddreg [dreg:$0x0];
	s2 =	stileid.u32  }
0x144: {  	s1 =	rddreg [dreg:$0x1];
	p0 =	sne.s32 s2, $0x0  }
0x145: {  	s3 =	rddreg [dreg:$0x2];
	[bflag:$0x3] =	sbarrier.arrive $0xFFFF;
	s2 =	simm.s32 @!p0 $0x1C11  }
0x146: {  	[timem:s3], [sflag:s2] =	dma.local @!p0 [hbm:s0], s1  }
0x147: {  	s0 =	simm.s32 @!p0 $0x11  }
0x148: {  	_ =	swait.ge @!p0 [sflag:s0], s1  }
0x149: {  	s1 =	ssub.s32 @!p0 $0x0, s1;
	[sflag:s0] =	ssyncset.done @!p0 $0x0  }
0x14a: {  	[sflag:s0] =	ssyncadd.s32 @!p0 s1  }
0x14b: {  	[bflag:$0x3] =	sbarrier.arrive $0xFFFF  }
0x14c: {  	_ =	shalt  }

</sc_bundles>
